<compile_context>
chip_gen: v7x
topology: tpu7x:2x2x1
jax: 0.10.2.dev20260603
libtpu: 0.0.44.dev20260713+nightly
codegen_flags: <defaults>
</compile_context>

<pallas_src>
import functools

import numpy as np
import jax
import jax.numpy as jnp
from jax import lax
from jax.experimental import pallas as pl
from jax.experimental.pallas import tpu as pltpu
from jax.experimental.pallas import tpu_sc as plsc

_P = 0.5
_B, _S, _D = 4, 4096, 1024
_NC, _NS = 2, 16
_NW = _NC * _NS
_ROWS = _B * _S
_RPW = _ROWS // _NW
_CHUNK = 56
_CS = [56] * 9 + [8]
_OFF = [56 * i for i in range(9)] + [504]
_NCHUNK = len(_CS)
_NBUF = 2


def _src_rows() -> np.ndarray:
    rng = np.random.default_rng(0)
    mask = rng.random(_S - 1) < _P
    idxs = np.arange(_S - 1)[mask]
    perm = np.arange(_S)
    perm[idxs] = idxs + 1
    perm[idxs + 1] = idxs
    rows = (np.arange(_B)[:, None] * _S + perm[None, :]).astype(np.int32)
    rows = rows.reshape(_NW, _RPW)
    tbl = np.zeros((_NW, _NCHUNK, _CHUNK), dtype=np.int32)
    for ci, (o, n) in enumerate(zip(_OFF, _CS)):
        tbl[:, ci, :n] = rows[:, o:o + n]
    return tbl


_IDX = _src_rows()

_mesh = plsc.VectorSubcoreMesh(core_axis_name="c", subcore_axis_name="s")


@functools.partial(
    pl.kernel,
    mesh=_mesh,
    out_type=jax.ShapeDtypeStruct((_ROWS, _D), jnp.float32),
    scratch_types=[pltpu.VMEM((_NCHUNK, _CHUNK), jnp.int32)]
    + [pltpu.VMEM((_CHUNK, _D), jnp.float32) for _ in range(_NBUF)]
    + [pltpu.SemaphoreType.DMA for _ in range(2 * _NBUF)],
)
def _gather_rows(x_hbm, idx_hbm, out_hbm, idx_v, *scr):
    bufs = scr[:_NBUF]
    gsem = scr[_NBUF:2 * _NBUF]
    wsem = scr[2 * _NBUF:]
    wid = lax.axis_index("s") * _NC + lax.axis_index("c")
    base = wid * _RPW

    pltpu.sync_copy(idx_hbm.at[wid], idx_v)

    def gather(ci):
        s = ci % _NBUF
        n = _CS[ci]
        idx = idx_v.at[ci] if n == _CHUNK else idx_v.at[ci, pl.ds(0, n)]
        dst = bufs[s] if n == _CHUNK else bufs[s].at[pl.ds(0, n)]
        return pltpu.async_copy(x_hbm.at[idx], dst, gsem[s])

    gh = [None] * _NBUF
    for ci in range(_NBUF):
        gh[ci] = gather(ci)
    for ci in range(_NCHUNK):
        s = ci % _NBUF
        n = _CS[ci]
        src_buf = bufs[s] if n == _CHUNK else bufs[s].at[pl.ds(0, n)]
        gh[s].wait()
        w = pltpu.async_copy(
            src_buf, out_hbm.at[pl.ds(base + _OFF[ci], n)], wsem[s])
        w.wait()
        nx = ci + _NBUF
        if nx < _NCHUNK:
            gh[s] = gather(nx)


@jax.jit
def kernel(x):
    out = _gather_rows(x.reshape(_ROWS, _D), jnp.asarray(_IDX))
    return out.reshape(_B, _S, _D)

# --- scband reference (transcript-rebuilt; emitter-appended) ---
"""Pipeline reference for scband-random-switch-m-14869176778783 (READ-ONLY COPY).

The authoritative reference and input builder live on the scoring server;
editing this copy changes nothing except your own understanding.
"""

import jax, jax.numpy as jnp
import numpy as np

P = 0.5

def setup_inputs(seed: int = 0) -> dict:
    key = jax.random.key(seed)
    x = jax.random.normal(key, (4, 4096, 1024), dtype=jnp.float32)
    return {"x": x}

def reference(x):
    S = x.shape[1]
    # torch.rand(S-1) < p -> deterministic mask via fixed numpy seed
    rng = np.random.default_rng(0)
    mask = rng.random(S - 1) < P
    idxs_np = np.arange(S - 1)[mask]
    idxs = jnp.asarray(idxs_np, dtype=jnp.int32)
    # torch semantics: RHS tuple is computed from the original tensor (advanced
    # indexing copies), then the two assignments happen. Equivalent in jax:
    x_aux = x.at[:, idxs, :].set(x[:, idxs + 1, :])
    x_aux = x_aux.at[:, idxs + 1, :].set(x[:, idxs, :])
    return x_aux

if __name__ == "__main__":
    import jax
    _d = setup_inputs()
    print(jax.jit(kernel)(*tuple(_d.values())))

</pallas_src>

<mosaic_0001>
#map = affine_map<(d0, d1) -> (0, 0)>
#map1 = affine_map<(d0, d1) -> (0, 0, 0)>
module attributes {stable_mosaic.version = 14 : i64} {
  func.func @_gather_rows(%arg0: i32, %arg1: i32, %arg2: memref<16384x1024xf32, #tpu.memory_space<hbm>>, %arg3: memref<32x10x56xi32, #tpu.memory_space<hbm>>, %arg4: memref<16384x1024xf32, #tpu.memory_space<hbm>>, %arg5: memref<10x56xi32, #tpu.memory_space<vmem>>, %arg6: memref<56x1024xf32, #tpu.memory_space<vmem>>, %arg7: memref<56x1024xf32, #tpu.memory_space<vmem>>, %arg8: memref<!tpu.dma_semaphore, #tpu.memory_space<semaphore_mem>>, %arg9: memref<!tpu.dma_semaphore, #tpu.memory_space<semaphore_mem>>, %arg10: memref<!tpu.dma_semaphore, #tpu.memory_space<semaphore_mem>>, %arg11: memref<!tpu.dma_semaphore, #tpu.memory_space<semaphore_mem>>) attributes {dimension_semantics = [#tpu.dimension_semantics<core_parallel>, #tpu.dimension_semantics<subcore_parallel>], iteration_bounds = array<i64: 2, 16>, scalar_prefetch = 0 : i64, scratch_operands = 7 : i64, tpu.core_type = #tpu.core_type<sc_vector_subcore>, window_params = [{transform_indices = #map}, {transform_indices = #map1}, {transform_indices = #map}]} {
    %mul3A = arith.constant 2 : i32
    %mul3A_0 = arith.muli %arg1, %mul3A : i32
    %add3A = arith.addi %mul3A_0, %arg0 : i32
    %mul3A_1 = arith.constant 512 : i32
    %mul3A_2 = arith.muli %add3A, %mul3A_1 : i32
    "tpu.region"() ({
      %run_scoped3A = tpu.sem_alloc : memref<!tpu.dma_semaphore, #tpu.memory_space<semaphore_mem>>
      %dma_start3A_259 = arith.constant 0 : i32
      %dma_start3A_260 = arith.constant 0 : i32
      %dma_start3A_261 = tpu.memref_slice %arg3[%add3A, %dma_start3A_259, %dma_start3A_260] : memref<32x10x56xi32, #tpu.memory_space<hbm>> -> memref<1x10x56xi32, #tpu.memory_space<hbm>>
      %dma_start3A_262 = tpu.memref_squeeze %dma_start3A_261 : memref<1x10x56xi32, #tpu.memory_space<hbm>> -> memref<10x56xi32, #tpu.memory_space<hbm>>
      %dma_start3A_263 = arith.constant 0 : i32
      %dma_start3A_264 = arith.constant 0 : i32
      %dma_start3A_265 = tpu.memref_slice %arg3[%add3A, %dma_start3A_263, %dma_start3A_264] : memref<32x10x56xi32, #tpu.memory_space<hbm>> -> memref<1x10x56xi32, #tpu.memory_space<hbm>>
      %dma_start3A_266 = tpu.memref_squeeze %dma_start3A_265 : memref<1x10x56xi32, #tpu.memory_space<hbm>> -> memref<10x56xi32, #tpu.memory_space<hbm>>
      tpu.enqueue_dma source(%dma_start3A_266 : memref<10x56xi32, #tpu.memory_space<hbm>>) target(%arg5 : memref<10x56xi32, #tpu.memory_space<vmem>>) target_semaphore(%run_scoped3A : memref<!tpu.dma_semaphore, #tpu.memory_space<semaphore_mem>>)
      %dma_wait3A_267 = arith.constant 0 : i32
      %dma_wait3A_268 = arith.constant 0 : i32
      %dma_wait3A_269 = tpu.memref_slice %arg3[%add3A, %dma_wait3A_267, %dma_wait3A_268] : memref<32x10x56xi32, #tpu.memory_space<hbm>> -> memref<1x10x56xi32, #tpu.memory_space<hbm>>
      %dma_wait3A_270 = tpu.memref_squeeze %dma_wait3A_269 : memref<1x10x56xi32, #tpu.memory_space<hbm>> -> memref<10x56xi32, #tpu.memory_space<hbm>>
      %dma_wait3A_271 = arith.constant 0 : i32
      %dma_wait3A_272 = arith.constant 0 : i32
      %dma_wait3A_273 = tpu.memref_slice %arg3[%add3A, %dma_wait3A_271, %dma_wait3A_272] : memref<32x10x56xi32, #tpu.memory_space<hbm>> -> memref<1x10x56xi32, #tpu.memory_space<hbm>>
      %dma_wait3A_274 = tpu.memref_squeeze %dma_wait3A_273 : memref<1x10x56xi32, #tpu.memory_space<hbm>> -> memref<10x56xi32, #tpu.memory_space<hbm>>
      tpu.wait_dma2 semaphore(%run_scoped3A : memref<!tpu.dma_semaphore, #tpu.memory_space<semaphore_mem>>) src(%dma_wait3A_274 : memref<10x56xi32, #tpu.memory_space<hbm>>) dst(%arg5 : memref<10x56xi32, #tpu.memory_space<vmem>>)
      tpu.yield
    }) : () -> ()
    %dma_start3A = arith.constant 0 : i32
    %dma_start3A_3 = arith.constant 0 : i32
    %dma_start3A_4 = tpu.memref_slice %arg5[%dma_start3A, %dma_start3A_3] : memref<10x56xi32, #tpu.memory_space<vmem>> -> memref<1x56xi32, #tpu.memory_space<vmem>>
    %dma_start3A_5 = tpu.memref_squeeze %dma_start3A_4 : memref<1x56xi32, #tpu.memory_space<vmem>> -> memref<56xi32, #tpu.memory_space<vmem>>
    %dma_start3A_6 = arith.constant 0 : i32
    %dma_start3A_7 = arith.constant 0 : i32
    %dma_start3A_8 = tpu.memref_slice %arg2[%dma_start3A_6, %dma_start3A_7] : memref<16384x1024xf32, #tpu.memory_space<hbm>> -> memref<16384x1024xf32, #tpu.memory_space<hbm>>
    tpu.enqueue_indirect_dma source(%dma_start3A_8 : memref<16384x1024xf32, #tpu.memory_space<hbm>>) target(%arg6 : memref<56x1024xf32, #tpu.memory_space<vmem>>) offsets(%dma_start3A_5 : memref<56xi32, #tpu.memory_space<vmem>>) semaphore(%arg8 : memref<!tpu.dma_semaphore, #tpu.memory_space<semaphore_mem>>)
    %dma_start3A_9 = arith.constant 1 : i32
    %dma_start3A_10 = arith.constant 0 : i32
    %dma_start3A_11 = tpu.memref_slice %arg5[%dma_start3A_9, %dma_start3A_10] : memref<10x56xi32, #tpu.memory_space<vmem>> -> memref<1x56xi32, #tpu.memory_space<vmem>>
    %dma_start3A_12 = tpu.memref_squeeze %dma_start3A_11 : memref<1x56xi32, #tpu.memory_space<vmem>> -> memref<56xi32, #tpu.memory_space<vmem>>
    %dma_start3A_13 = arith.constant 0 : i32
    %dma_start3A_14 = arith.constant 0 : i32
    %dma_start3A_15 = tpu.memref_slice %arg2[%dma_start3A_13, %dma_start3A_14] : memref<16384x1024xf32, #tpu.memory_space<hbm>> -> memref<16384x1024xf32, #tpu.memory_space<hbm>>
    tpu.enqueue_indirect_dma source(%dma_start3A_15 : memref<16384x1024xf32, #tpu.memory_space<hbm>>) target(%arg7 : memref<56x1024xf32, #tpu.memory_space<vmem>>) offsets(%dma_start3A_12 : memref<56xi32, #tpu.memory_space<vmem>>) semaphore(%arg9 : memref<!tpu.dma_semaphore, #tpu.memory_space<semaphore_mem>>)
    %dma_wait3A = arith.constant 0 : i32
    %dma_wait3A_16 = arith.constant 0 : i32
    %dma_wait3A_17 = tpu.memref_slice %arg5[%dma_wait3A, %dma_wait3A_16] : memref<10x56xi32, #tpu.memory_space<vmem>> -> memref<1x56xi32, #tpu.memory_space<vmem>>
    %dma_wait3A_18 = tpu.memref_squeeze %dma_wait3A_17 : memref<1x56xi32, #tpu.memory_space<vmem>> -> memref<56xi32, #tpu.memory_space<vmem>>
    %dma_wait3A_19 = arith.constant 0 : i32
    %dma_wait3A_20 = arith.constant 0 : i32
    %dma_wait3A_21 = tpu.memref_slice %arg2[%dma_wait3A_19, %dma_wait3A_20] : memref<16384x1024xf32, #tpu.memory_space<hbm>> -> memref<16384x1024xf32, #tpu.memory_space<hbm>>
    tpu.wait_indirect_dma semaphore(%arg8 : memref<!tpu.dma_semaphore, #tpu.memory_space<semaphore_mem>>) src(%dma_wait3A_21 : memref<16384x1024xf32, #tpu.memory_space<hbm>>) dst(%arg6 : memref<56x1024xf32, #tpu.memory_space<vmem>>)
    %add3A_22 = arith.constant 0 : i32
    %add3A_23 = arith.addi %mul3A_2, %add3A_22 : i32
    %dma_start3A_24 = arith.constant 0 : i32
    %dma_start3A_25 = tpu.memref_slice %arg4[%add3A_23, %dma_start3A_24] : memref<16384x1024xf32, #tpu.memory_space<hbm>> -> memref<56x1024xf32, #tpu.memory_space<hbm>>
    %dma_start3A_26 = arith.constant 0 : i32
    %dma_start3A_27 = tpu.memref_slice %arg4[%add3A_23, %dma_start3A_26] : memref<16384x1024xf32, #tpu.memory_space<hbm>> -> memref<56x1024xf32, #tpu.memory_space<hbm>>
    tpu.enqueue_dma source(%arg6 : memref<56x1024xf32, #tpu.memory_space<vmem>>) target(%dma_start3A_27 : memref<56x1024xf32, #tpu.memory_space<hbm>>) target_semaphore(%arg10 : memref<!tpu.dma_semaphore, #tpu.memory_space<semaphore_mem>>)
    %dma_wait3A_28 = arith.constant 0 : i32
    %dma_wait3A_29 = tpu.memref_slice %arg4[%add3A_23, %dma_wait3A_28] : memref<16384x1024xf32, #tpu.memory_space<hbm>> -> memref<56x1024xf32, #tpu.memory_space<hbm>>
    %dma_wait3A_30 = arith.constant 0 : i32
    %dma_wait3A_31 = tpu.memref_slice %arg4[%add3A_23, %dma_wait3A_30] : memref<16384x1024xf32, #tpu.memory_space<hbm>> -> memref<56x1024xf32, #tpu.memory_space<hbm>>
    tpu.wait_dma2 semaphore(%arg10 : memref<!tpu.dma_semaphore, #tpu.memory_space<semaphore_mem>>) src(%arg6 : memref<56x1024xf32, #tpu.memory_space<vmem>>) dst(%dma_wait3A_31 : memref<56x1024xf32, #tpu.memory_space<hbm>>)
    %dma_start3A_32 = arith.constant 2 : i32
    %dma_start3A_33 = arith.constant 0 : i32
    %dma_start3A_34 = tpu.memref_slice %arg5[%dma_start3A_32, %dma_start3A_33] : memref<10x56xi32, #tpu.memory_space<vmem>> -> memref<1x56xi32, #tpu.memory_space<vmem>>
    %dma_start3A_35 = tpu.memref_squeeze %dma_start3A_34 : memref<1x56xi32, #tpu.memory_space<vmem>> -> memref<56xi32, #tpu.memory_space<vmem>>
    %dma_start3A_36 = arith.constant 0 : i32
    %dma_start3A_37 = arith.constant 0 : i32
    %dma_start3A_38 = tpu.memref_slice %arg2[%dma_start3A_36, %dma_start3A_37] : memref<16384x1024xf32, #tpu.memory_space<hbm>> -> memref<16384x1024xf32, #tpu.memory_space<hbm>>
    tpu.enqueue_indirect_dma source(%dma_start3A_38 : memref<16384x1024xf32, #tpu.memory_space<hbm>>) target(%arg6 : memref<56x1024xf32, #tpu.memory_space<vmem>>) offsets(%dma_start3A_35 : memref<56xi32, #tpu.memory_space<vmem>>) semaphore(%arg8 : memref<!tpu.dma_semaphore, #tpu.memory_space<semaphore_mem>>)
    %dma_wait3A_39 = arith.constant 1 : i32
    %dma_wait3A_40 = arith.constant 0 : i32
    %dma_wait3A_41 = tpu.memref_slice %arg5[%dma_wait3A_39, %dma_wait3A_40] : memref<10x56xi32, #tpu.memory_space<vmem>> -> memref<1x56xi32, #tpu.memory_space<vmem>>
    %dma_wait3A_42 = tpu.memref_squeeze %dma_wait3A_41 : memref<1x56xi32, #tpu.memory_space<vmem>> -> memref<56xi32, #tpu.memory_space<vmem>>
    %dma_wait3A_43 = arith.constant 0 : i32
    %dma_wait3A_44 = arith.constant 0 : i32
    %dma_wait3A_45 = tpu.memref_slice %arg2[%dma_wait3A_43, %dma_wait3A_44] : memref<16384x1024xf32, #tpu.memory_space<hbm>> -> memref<16384x1024xf32, #tpu.memory_space<hbm>>
    tpu.wait_indirect_dma semaphore(%arg9 : memref<!tpu.dma_semaphore, #tpu.memory_space<semaphore_mem>>) src(%dma_wait3A_45 : memref<16384x1024xf32, #tpu.memory_space<hbm>>) dst(%arg7 : memref<56x1024xf32, #tpu.memory_space<vmem>>)
    %add3A_46 = arith.constant 56 : i32
    %add3A_47 = arith.addi %mul3A_2, %add3A_46 : i32
    %dma_start3A_48 = arith.constant 0 : i32
    %dma_start3A_49 = tpu.memref_slice %arg4[%add3A_47, %dma_start3A_48] : memref<16384x1024xf32, #tpu.memory_space<hbm>> -> memref<56x1024xf32, #tpu.memory_space<hbm>>
    %dma_start3A_50 = arith.constant 0 : i32
    %dma_start3A_51 = tpu.memref_slice %arg4[%add3A_47, %dma_start3A_50] : memref<16384x1024xf32, #tpu.memory_space<hbm>> -> memref<56x1024xf32, #tpu.memory_space<hbm>>
    tpu.enqueue_dma source(%arg7 : memref<56x1024xf32, #tpu.memory_space<vmem>>) target(%dma_start3A_51 : memref<56x1024xf32, #tpu.memory_space<hbm>>) target_semaphore(%arg11 : memref<!tpu.dma_semaphore, #tpu.memory_space<semaphore_mem>>)
    %dma_wait3A_52 = arith.constant 0 : i32
    %dma_wait3A_53 = tpu.memref_slice %arg4[%add3A_47, %dma_wait3A_52] : memref<16384x1024xf32, #tpu.memory_space<hbm>> -> memref<56x1024xf32, #tpu.memory_space<hbm>>
    %dma_wait3A_54 = arith.constant 0 : i32
    %dma_wait3A_55 = tpu.memref_slice %arg4[%add3A_47, %dma_wait3A_54] : memref<16384x1024xf32, #tpu.memory_space<hbm>> -> memref<56x1024xf32, #tpu.memory_space<hbm>>
    tpu.wait_dma2 semaphore(%arg11 : memref<!tpu.dma_semaphore, #tpu.memory_space<semaphore_mem>>) src(%arg7 : memref<56x1024xf32, #tpu.memory_space<vmem>>) dst(%dma_wait3A_55 : memref<56x1024xf32, #tpu.memory_space<hbm>>)
    %dma_start3A_56 = arith.constant 3 : i32
    %dma_start3A_57 = arith.constant 0 : i32
    %dma_start3A_58 = tpu.memref_slice %arg5[%dma_start3A_56, %dma_start3A_57] : memref<10x56xi32, #tpu.memory_space<vmem>> -> memref<1x56xi32, #tpu.memory_space<vmem>>
    %dma_start3A_59 = tpu.memref_squeeze %dma_start3A_58 : memref<1x56xi32, #tpu.memory_space<vmem>> -> memref<56xi32, #tpu.memory_space<vmem>>
    %dma_start3A_60 = arith.constant 0 : i32
    %dma_start3A_61 = arith.constant 0 : i32
    %dma_start3A_62 = tpu.memref_slice %arg2[%dma_start3A_60, %dma_start3A_61] : memref<16384x1024xf32, #tpu.memory_space<hbm>> -> memref<16384x1024xf32, #tpu.memory_space<hbm>>
    tpu.enqueue_indirect_dma source(%dma_start3A_62 : memref<16384x1024xf32, #tpu.memory_space<hbm>>) target(%arg7 : memref<56x1024xf32, #tpu.memory_space<vmem>>) offsets(%dma_start3A_59 : memref<56xi32, #tpu.memory_space<vmem>>) semaphore(%arg9 : memref<!tpu.dma_semaphore, #tpu.memory_space<semaphore_mem>>)
    %dma_wait3A_63 = arith.constant 2 : i32
    %dma_wait3A_64 = arith.constant 0 : i32
    %dma_wait3A_65 = tpu.memref_slice %arg5[%dma_wait3A_63, %dma_wait3A_64] : memref<10x56xi32, #tpu.memory_space<vmem>> -> memref<1x56xi32, #tpu.memory_space<vmem>>
    %dma_wait3A_66 = tpu.memref_squeeze %dma_wait3A_65 : memref<1x56xi32, #tpu.memory_space<vmem>> -> memref<56xi32, #tpu.memory_space<vmem>>
    %dma_wait3A_67 = arith.constant 0 : i32
    %dma_wait3A_68 = arith.constant 0 : i32
    %dma_wait3A_69 = tpu.memref_slice %arg2[%dma_wait3A_67, %dma_wait3A_68] : memref<16384x1024xf32, #tpu.memory_space<hbm>> -> memref<16384x1024xf32, #tpu.memory_space<hbm>>
    tpu.wait_indirect_dma semaphore(%arg8 : memref<!tpu.dma_semaphore, #tpu.memory_space<semaphore_mem>>) src(%dma_wait3A_69 : memref<16384x1024xf32, #tpu.memory_space<hbm>>) dst(%arg6 : memref<56x1024xf32, #tpu.memory_space<vmem>>)
    %add3A_70 = arith.constant 112 : i32
    %add3A_71 = arith.addi %mul3A_2, %add3A_70 : i32
    %dma_start3A_72 = arith.constant 0 : i32
    %dma_start3A_73 = tpu.memref_slice %arg4[%add3A_71, %dma_start3A_72] : memref<16384x1024xf32, #tpu.memory_space<hbm>> -> memref<56x1024xf32, #tpu.memory_space<hbm>>
    %dma_start3A_74 = arith.constant 0 : i32
    %dma_start3A_75 = tpu.memref_slice %arg4[%add3A_71, %dma_start3A_74] : memref<16384x1024xf32, #tpu.memory_space<hbm>> -> memref<56x1024xf32, #tpu.memory_space<hbm>>
    tpu.enqueue_dma source(%arg6 : memref<56x1024xf32, #tpu.memory_space<vmem>>) target(%dma_start3A_75 : memref<56x1024xf32, #tpu.memory_space<hbm>>) target_semaphore(%arg10 : memref<!tpu.dma_semaphore, #tpu.memory_space<semaphore_mem>>)
    %dma_wait3A_76 = arith.constant 0 : i32
    %dma_wait3A_77 = tpu.memref_slice %arg4[%add3A_71, %dma_wait3A_76] : memref<16384x1024xf32, #tpu.memory_space<hbm>> -> memref<56x1024xf32, #tpu.memory_space<hbm>>
    %dma_wait3A_78 = arith.constant 0 : i32
    %dma_wait3A_79 = tpu.memref_slice %arg4[%add3A_71, %dma_wait3A_78] : memref<16384x1024xf32, #tpu.memory_space<hbm>> -> memref<56x1024xf32, #tpu.memory_space<hbm>>
    tpu.wait_dma2 semaphore(%arg10 : memref<!tpu.dma_semaphore, #tpu.memory_space<semaphore_mem>>) src(%arg6 : memref<56x1024xf32, #tpu.memory_space<vmem>>) dst(%dma_wait3A_79 : memref<56x1024xf32, #tpu.memory_space<hbm>>)
    %dma_start3A_80 = arith.constant 4 : i32
    %dma_start3A_81 = arith.constant 0 : i32
    %dma_start3A_82 = tpu.memref_slice %arg5[%dma_start3A_80, %dma_start3A_81] : memref<10x56xi32, #tpu.memory_space<vmem>> -> memref<1x56xi32, #tpu.memory_space<vmem>>
    %dma_start3A_83 = tpu.memref_squeeze %dma_start3A_82 : memref<1x56xi32, #tpu.memory_space<vmem>> -> memref<56xi32, #tpu.memory_space<vmem>>
    %dma_start3A_84 = arith.constant 0 : i32
    %dma_start3A_85 = arith.constant 0 : i32
    %dma_start3A_86 = tpu.memref_slice %arg2[%dma_start3A_84, %dma_start3A_85] : memref<16384x1024xf32, #tpu.memory_space<hbm>> -> memref<16384x1024xf32, #tpu.memory_space<hbm>>
    tpu.enqueue_indirect_dma source(%dma_start3A_86 : memref<16384x1024xf32, #tpu.memory_space<hbm>>) target(%arg6 : memref<56x1024xf32, #tpu.memory_space<vmem>>) offsets(%dma_start3A_83 : memref<56xi32, #tpu.memory_space<vmem>>) semaphore(%arg8 : memref<!tpu.dma_semaphore, #tpu.memory_space<semaphore_mem>>)
    %dma_wait3A_87 = arith.constant 3 : i32
    %dma_wait3A_88 = arith.constant 0 : i32
    %dma_wait3A_89 = tpu.memref_slice %arg5[%dma_wait3A_87, %dma_wait3A_88] : memref<10x56xi32, #tpu.memory_space<vmem>> -> memref<1x56xi32, #tpu.memory_space<vmem>>
    %dma_wait3A_90 = tpu.memref_squeeze %dma_wait3A_89 : memref<1x56xi32, #tpu.memory_space<vmem>> -> memref<56xi32, #tpu.memory_space<vmem>>
    %dma_wait3A_91 = arith.constant 0 : i32
    %dma_wait3A_92 = arith.constant 0 : i32
    %dma_wait3A_93 = tpu.memref_slice %arg2[%dma_wait3A_91, %dma_wait3A_92] : memref<16384x1024xf32, #tpu.memory_space<hbm>> -> memref<16384x1024xf32, #tpu.memory_space<hbm>>
    tpu.wait_indirect_dma semaphore(%arg9 : memref<!tpu.dma_semaphore, #tpu.memory_space<semaphore_mem>>) src(%dma_wait3A_93 : memref<16384x1024xf32, #tpu.memory_space<hbm>>) dst(%arg7 : memref<56x1024xf32, #tpu.memory_space<vmem>>)
    %add3A_94 = arith.constant 168 : i32
    %add3A_95 = arith.addi %mul3A_2, %add3A_94 : i32
    %dma_start3A_96 = arith.constant 0 : i32
    %dma_start3A_97 = tpu.memref_slice %arg4[%add3A_95, %dma_start3A_96] : memref<16384x1024xf32, #tpu.memory_space<hbm>> -> memref<56x1024xf32, #tpu.memory_space<hbm>>
    %dma_start3A_98 = arith.constant 0 : i32
    %dma_start3A_99 = tpu.memref_slice %arg4[%add3A_95, %dma_start3A_98] : memref<16384x1024xf32, #tpu.memory_space<hbm>> -> memref<56x1024xf32, #tpu.memory_space<hbm>>
    tpu.enqueue_dma source(%arg7 : memref<56x1024xf32, #tpu.memory_space<vmem>>) target(%dma_start3A_99 : memref<56x1024xf32, #tpu.memory_space<hbm>>) target_semaphore(%arg11 : memref<!tpu.dma_semaphore, #tpu.memory_space<semaphore_mem>>)
    %dma_wait3A_100 = arith.constant 0 : i32
    %dma_wait3A_101 = tpu.memref_slice %arg4[%add3A_95, %dma_wait3A_100] : memref<16384x1024xf32, #tpu.memory_space<hbm>> -> memref<56x1024xf32, #tpu.memory_space<hbm>>
    %dma_wait3A_102 = arith.constant 0 : i32
    %dma_wait3A_103 = tpu.memref_slice %arg4[%add3A_95, %dma_wait3A_102] : memref<16384x1024xf32, #tpu.memory_space<hbm>> -> memref<56x1024xf32, #tpu.memory_space<hbm>>
    tpu.wait_dma2 semaphore(%arg11 : memref<!tpu.dma_semaphore, #tpu.memory_space<semaphore_mem>>) src(%arg7 : memref<56x1024xf32, #tpu.memory_space<vmem>>) dst(%dma_wait3A_103 : memref<56x1024xf32, #tpu.memory_space<hbm>>)
    %dma_start3A_104 = arith.constant 5 : i32
    %dma_start3A_105 = arith.constant 0 : i32
    %dma_start3A_106 = tpu.memref_slice %arg5[%dma_start3A_104, %dma_start3A_105] : memref<10x56xi32, #tpu.memory_space<vmem>> -> memref<1x56xi32, #tpu.memory_space<vmem>>
    %dma_start3A_107 = tpu.memref_squeeze %dma_start3A_106 : memref<1x56xi32, #tpu.memory_space<vmem>> -> memref<56xi32, #tpu.memory_space<vmem>>
    %dma_start3A_108 = arith.constant 0 : i32
    %dma_start3A_109 = arith.constant 0 : i32
    %dma_start3A_110 = tpu.memref_slice %arg2[%dma_start3A_108, %dma_start3A_109] : memref<16384x1024xf32, #tpu.memory_space<hbm>> -> memref<16384x1024xf32, #tpu.memory_space<hbm>>
    tpu.enqueue_indirect_dma source(%dma_start3A_110 : memref<16384x1024xf32, #tpu.memory_space<hbm>>) target(%arg7 : memref<56x1024xf32, #tpu.memory_space<vmem>>) offsets(%dma_start3A_107 : memref<56xi32, #tpu.memory_space<vmem>>) semaphore(%arg9 : memref<!tpu.dma_semaphore, #tpu.memory_space<semaphore_mem>>)
    %dma_wait3A_111 = arith.constant 4 : i32
    %dma_wait3A_112 = arith.constant 0 : i32
    %dma_wait3A_113 = tpu.memref_slice %arg5[%dma_wait3A_111, %dma_wait3A_112] : memref<10x56xi32, #tpu.memory_space<vmem>> -> memref<1x56xi32, #tpu.memory_space<vmem>>
    %dma_wait3A_114 = tpu.memref_squeeze %dma_wait3A_113 : memref<1x56xi32, #tpu.memory_space<vmem>> -> memref<56xi32, #tpu.memory_space<vmem>>
    %dma_wait3A_115 = arith.constant 0 : i32
    %dma_wait3A_116 = arith.constant 0 : i32
    %dma_wait3A_117 = tpu.memref_slice %arg2[%dma_wait3A_115, %dma_wait3A_116] : memref<16384x1024xf32, #tpu.memory_space<hbm>> -> memref<16384x1024xf32, #tpu.memory_space<hbm>>
    tpu.wait_indirect_dma semaphore(%arg8 : memref<!tpu.dma_semaphore, #tpu.memory_space<semaphore_mem>>) src(%dma_wait3A_117 : memref<16384x1024xf32, #tpu.memory_space<hbm>>) dst(%arg6 : memref<56x1024xf32, #tpu.memory_space<vmem>>)
    %add3A_118 = arith.constant 224 : i32
    %add3A_119 = arith.addi %mul3A_2, %add3A_118 : i32
    %dma_start3A_120 = arith.constant 0 : i32
    %dma_start3A_121 = tpu.memref_slice %arg4[%add3A_119, %dma_start3A_120] : memref<16384x1024xf32, #tpu.memory_space<hbm>> -> memref<56x1024xf32, #tpu.memory_space<hbm>>
    %dma_start3A_122 = arith.constant 0 : i32
    %dma_start3A_123 = tpu.memref_slice %arg4[%add3A_119, %dma_start3A_122] : memref<16384x1024xf32, #tpu.memory_space<hbm>> -> memref<56x1024xf32, #tpu.memory_space<hbm>>
    tpu.enqueue_dma source(%arg6 : memref<56x1024xf32, #tpu.memory_space<vmem>>) target(%dma_start3A_123 : memref<56x1024xf32, #tpu.memory_space<hbm>>) target_semaphore(%arg10 : memref<!tpu.dma_semaphore, #tpu.memory_space<semaphore_mem>>)
    %dma_wait3A_124 = arith.constant 0 : i32
    %dma_wait3A_125 = tpu.memref_slice %arg4[%add3A_119, %dma_wait3A_124] : memref<16384x1024xf32, #tpu.memory_space<hbm>> -> memref<56x1024xf32, #tpu.memory_space<hbm>>
    %dma_wait3A_126 = arith.constant 0 : i32
    %dma_wait3A_127 = tpu.memref_slice %arg4[%add3A_119, %dma_wait3A_126] : memref<16384x1024xf32, #tpu.memory_space<hbm>> -> memref<56x1024xf32, #tpu.memory_space<hbm>>
    tpu.wait_dma2 semaphore(%arg10 : memref<!tpu.dma_semaphore, #tpu.memory_space<semaphore_mem>>) src(%arg6 : memref<56x1024xf32, #tpu.memory_space<vmem>>) dst(%dma_wait3A_127 : memref<56x1024xf32, #tpu.memory_space<hbm>>)
    %dma_start3A_128 = arith.constant 6 : i32
    %dma_start3A_129 = arith.constant 0 : i32
    %dma_start3A_130 = tpu.memref_slice %arg5[%dma_start3A_128, %dma_start3A_129] : memref<10x56xi32, #tpu.memory_space<vmem>> -> memref<1x56xi32, #tpu.memory_space<vmem>>
    %dma_start3A_131 = tpu.memref_squeeze %dma_start3A_130 : memref<1x56xi32, #tpu.memory_space<vmem>> -> memref<56xi32, #tpu.memory_space<vmem>>
    %dma_start3A_132 = arith.constant 0 : i32
    %dma_start3A_133 = arith.constant 0 : i32
    %dma_start3A_134 = tpu.memref_slice %arg2[%dma_start3A_132, %dma_start3A_133] : memref<16384x1024xf32, #tpu.memory_space<hbm>> -> memref<16384x1024xf32, #tpu.memory_space<hbm>>
    tpu.enqueue_indirect_dma source(%dma_start3A_134 : memref<16384x1024xf32, #tpu.memory_space<hbm>>) target(%arg6 : memref<56x1024xf32, #tpu.memory_space<vmem>>) offsets(%dma_start3A_131 : memref<56xi32, #tpu.memory_space<vmem>>) semaphore(%arg8 : memref<!tpu.dma_semaphore, #tpu.memory_space<semaphore_mem>>)
    %dma_wait3A_135 = arith.constant 5 : i32
    %dma_wait3A_136 = arith.constant 0 : i32
    %dma_wait3A_137 = tpu.memref_slice %arg5[%dma_wait3A_135, %dma_wait3A_136] : memref<10x56xi32, #tpu.memory_space<vmem>> -> memref<1x56xi32, #tpu.memory_space<vmem>>
    %dma_wait3A_138 = tpu.memref_squeeze %dma_wait3A_137 : memref<1x56xi32, #tpu.memory_space<vmem>> -> memref<56xi32, #tpu.memory_space<vmem>>
    %dma_wait3A_139 = arith.constant 0 : i32
    %dma_wait3A_140 = arith.constant 0 : i32
    %dma_wait3A_141 = tpu.memref_slice %arg2[%dma_wait3A_139, %dma_wait3A_140] : memref<16384x1024xf32, #tpu.memory_space<hbm>> -> memref<16384x1024xf32, #tpu.memory_space<hbm>>
    tpu.wait_indirect_dma semaphore(%arg9 : memref<!tpu.dma_semaphore, #tpu.memory_space<semaphore_mem>>) src(%dma_wait3A_141 : memref<16384x1024xf32, #tpu.memory_space<hbm>>) dst(%arg7 : memref<56x1024xf32, #tpu.memory_space<vmem>>)
    %add3A_142 = arith.constant 280 : i32
    %add3A_143 = arith.addi %mul3A_2, %add3A_142 : i32
    %dma_start3A_144 = arith.constant 0 : i32
    %dma_start3A_145 = tpu.memref_slice %arg4[%add3A_143, %dma_start3A_144] : memref<16384x1024xf32, #tpu.memory_space<hbm>> -> memref<56x1024xf32, #tpu.memory_space<hbm>>
    %dma_start3A_146 = arith.constant 0 : i32
    %dma_start3A_147 = tpu.memref_slice %arg4[%add3A_143, %dma_start3A_146] : memref<16384x1024xf32, #tpu.memory_space<hbm>> -> memref<56x1024xf32, #tpu.memory_space<hbm>>
    tpu.enqueue_dma source(%arg7 : memref<56x1024xf32, #tpu.memory_space<vmem>>) target(%dma_start3A_147 : memref<56x1024xf32, #tpu.memory_space<hbm>>) target_semaphore(%arg11 : memref<!tpu.dma_semaphore, #tpu.memory_space<semaphore_mem>>)
    %dma_wait3A_148 = arith.constant 0 : i32
    %dma_wait3A_149 = tpu.memref_slice %arg4[%add3A_143, %dma_wait3A_148] : memref<16384x1024xf32, #tpu.memory_space<hbm>> -> memref<56x1024xf32, #tpu.memory_space<hbm>>
    %dma_wait3A_150 = arith.constant 0 : i32
    %dma_wait3A_151 = tpu.memref_slice %arg4[%add3A_143, %dma_wait3A_150] : memref<16384x1024xf32, #tpu.memory_space<hbm>> -> memref<56x1024xf32, #tpu.memory_space<hbm>>
    tpu.wait_dma2 semaphore(%arg11 : memref<!tpu.dma_semaphore, #tpu.memory_space<semaphore_mem>>) src(%arg7 : memref<56x1024xf32, #tpu.memory_space<vmem>>) dst(%dma_wait3A_151 : memref<56x1024xf32, #tpu.memory_space<hbm>>)
    %dma_start3A_152 = arith.constant 7 : i32
    %dma_start3A_153 = arith.constant 0 : i32
    %dma_start3A_154 = tpu.memref_slice %arg5[%dma_start3A_152, %dma_start3A_153] : memref<10x56xi32, #tpu.memory_space<vmem>> -> memref<1x56xi32, #tpu.memory_space<vmem>>
    %dma_start3A_155 = tpu.memref_squeeze %dma_start3A_154 : memref<1x56xi32, #tpu.memory_space<vmem>> -> memref<56xi32, #tpu.memory_space<vmem>>
    %dma_start3A_156 = arith.constant 0 : i32
    %dma_start3A_157 = arith.constant 0 : i32
    %dma_start3A_158 = tpu.memref_slice %arg2[%dma_start3A_156, %dma_start3A_157] : memref<16384x1024xf32, #tpu.memory_space<hbm>> -> memref<16384x1024xf32, #tpu.memory_space<hbm>>
    tpu.enqueue_indirect_dma source(%dma_start3A_158 : memref<16384x1024xf32, #tpu.memory_space<hbm>>) target(%arg7 : memref<56x1024xf32, #tpu.memory_space<vmem>>) offsets(%dma_start3A_155 : memref<56xi32, #tpu.memory_space<vmem>>) semaphore(%arg9 : memref<!tpu.dma_semaphore, #tpu.memory_space<semaphore_mem>>)
    %dma_wait3A_159 = arith.constant 6 : i32
    %dma_wait3A_160 = arith.constant 0 : i32
    %dma_wait3A_161 = tpu.memref_slice %arg5[%dma_wait3A_159, %dma_wait3A_160] : memref<10x56xi32, #tpu.memory_space<vmem>> -> memref<1x56xi32, #tpu.memory_space<vmem>>
    %dma_wait3A_162 = tpu.memref_squeeze %dma_wait3A_161 : memref<1x56xi32, #tpu.memory_space<vmem>> -> memref<56xi32, #tpu.memory_space<vmem>>
    %dma_wait3A_163 = arith.constant 0 : i32
    %dma_wait3A_164 = arith.constant 0 : i32
    %dma_wait3A_165 = tpu.memref_slice %arg2[%dma_wait3A_163, %dma_wait3A_164] : memref<16384x1024xf32, #tpu.memory_space<hbm>> -> memref<16384x1024xf32, #tpu.memory_space<hbm>>
    tpu.wait_indirect_dma semaphore(%arg8 : memref<!tpu.dma_semaphore, #tpu.memory_space<semaphore_mem>>) src(%dma_wait3A_165 : memref<16384x1024xf32, #tpu.memory_space<hbm>>) dst(%arg6 : memref<56x1024xf32, #tpu.memory_space<vmem>>)
    %add3A_166 = arith.constant 336 : i32
    %add3A_167 = arith.addi %mul3A_2, %add3A_166 : i32
    %dma_start3A_168 = arith.constant 0 : i32
    %dma_start3A_169 = tpu.memref_slice %arg4[%add3A_167, %dma_start3A_168] : memref<16384x1024xf32, #tpu.memory_space<hbm>> -> memref<56x1024xf32, #tpu.memory_space<hbm>>
    %dma_start3A_170 = arith.constant 0 : i32
    %dma_start3A_171 = tpu.memref_slice %arg4[%add3A_167, %dma_start3A_170] : memref<16384x1024xf32, #tpu.memory_space<hbm>> -> memref<56x1024xf32, #tpu.memory_space<hbm>>
    tpu.enqueue_dma source(%arg6 : memref<56x1024xf32, #tpu.memory_space<vmem>>) target(%dma_start3A_171 : memref<56x1024xf32, #tpu.memory_space<hbm>>) target_semaphore(%arg10 : memref<!tpu.dma_semaphore, #tpu.memory_space<semaphore_mem>>)
    %dma_wait3A_172 = arith.constant 0 : i32
    %dma_wait3A_173 = tpu.memref_slice %arg4[%add3A_167, %dma_wait3A_172] : memref<16384x1024xf32, #tpu.memory_space<hbm>> -> memref<56x1024xf32, #tpu.memory_space<hbm>>
    %dma_wait3A_174 = arith.constant 0 : i32
    %dma_wait3A_175 = tpu.memref_slice %arg4[%add3A_167, %dma_wait3A_174] : memref<16384x1024xf32, #tpu.memory_space<hbm>> -> memref<56x1024xf32, #tpu.memory_space<hbm>>
    tpu.wait_dma2 semaphore(%arg10 : memref<!tpu.dma_semaphore, #tpu.memory_space<semaphore_mem>>) src(%arg6 : memref<56x1024xf32, #tpu.memory_space<vmem>>) dst(%dma_wait3A_175 : memref<56x1024xf32, #tpu.memory_space<hbm>>)
    %dma_start3A_176 = arith.constant 8 : i32
    %dma_start3A_177 = arith.constant 0 : i32
    %dma_start3A_178 = tpu.memref_slice %arg5[%dma_start3A_176, %dma_start3A_177] : memref<10x56xi32, #tpu.memory_space<vmem>> -> memref<1x56xi32, #tpu.memory_space<vmem>>
    %dma_start3A_179 = tpu.memref_squeeze %dma_start3A_178 : memref<1x56xi32, #tpu.memory_space<vmem>> -> memref<56xi32, #tpu.memory_space<vmem>>
    %dma_start3A_180 = arith.constant 0 : i32
    %dma_start3A_181 = arith.constant 0 : i32
    %dma_start3A_182 = tpu.memref_slice %arg2[%dma_start3A_180, %dma_start3A_181] : memref<16384x1024xf32, #tpu.memory_space<hbm>> -> memref<16384x1024xf32, #tpu.memory_space<hbm>>
    tpu.enqueue_indirect_dma source(%dma_start3A_182 : memref<16384x1024xf32, #tpu.memory_space<hbm>>) target(%arg6 : memref<56x1024xf32, #tpu.memory_space<vmem>>) offsets(%dma_start3A_179 : memref<56xi32, #tpu.memory_space<vmem>>) semaphore(%arg8 : memref<!tpu.dma_semaphore, #tpu.memory_space<semaphore_mem>>)
    %dma_wait3A_183 = arith.constant 7 : i32
    %dma_wait3A_184 = arith.constant 0 : i32
    %dma_wait3A_185 = tpu.memref_slice %arg5[%dma_wait3A_183, %dma_wait3A_184] : memref<10x56xi32, #tpu.memory_space<vmem>> -> memref<1x56xi32, #tpu.memory_space<vmem>>
    %dma_wait3A_186 = tpu.memref_squeeze %dma_wait3A_185 : memref<1x56xi32, #tpu.memory_space<vmem>> -> memref<56xi32, #tpu.memory_space<vmem>>
    %dma_wait3A_187 = arith.constant 0 : i32
    %dma_wait3A_188 = arith.constant 0 : i32
    %dma_wait3A_189 = tpu.memref_slice %arg2[%dma_wait3A_187, %dma_wait3A_188] : memref<16384x1024xf32, #tpu.memory_space<hbm>> -> memref<16384x1024xf32, #tpu.memory_space<hbm>>
    tpu.wait_indirect_dma semaphore(%arg9 : memref<!tpu.dma_semaphore, #tpu.memory_space<semaphore_mem>>) src(%dma_wait3A_189 : memref<16384x1024xf32, #tpu.memory_space<hbm>>) dst(%arg7 : memref<56x1024xf32, #tpu.memory_space<vmem>>)
    %add3A_190 = arith.constant 392 : i32
    %add3A_191 = arith.addi %mul3A_2, %add3A_190 : i32
    %dma_start3A_192 = arith.constant 0 : i32
    %dma_start3A_193 = tpu.memref_slice %arg4[%add3A_191, %dma_start3A_192] : memref<16384x1024xf32, #tpu.memory_space<hbm>> -> memref<56x1024xf32, #tpu.memory_space<hbm>>
    %dma_start3A_194 = arith.constant 0 : i32
    %dma_start3A_195 = tpu.memref_slice %arg4[%add3A_191, %dma_start3A_194] : memref<16384x1024xf32, #tpu.memory_space<hbm>> -> memref<56x1024xf32, #tpu.memory_space<hbm>>
    tpu.enqueue_dma source(%arg7 : memref<56x1024xf32, #tpu.memory_space<vmem>>) target(%dma_start3A_195 : memref<56x1024xf32, #tpu.memory_space<hbm>>) target_semaphore(%arg11 : memref<!tpu.dma_semaphore, #tpu.memory_space<semaphore_mem>>)
    %dma_wait3A_196 = arith.constant 0 : i32
    %dma_wait3A_197 = tpu.memref_slice %arg4[%add3A_191, %dma_wait3A_196] : memref<16384x1024xf32, #tpu.memory_space<hbm>> -> memref<56x1024xf32, #tpu.memory_space<hbm>>
    %dma_wait3A_198 = arith.constant 0 : i32
    %dma_wait3A_199 = tpu.memref_slice %arg4[%add3A_191, %dma_wait3A_198] : memref<16384x1024xf32, #tpu.memory_space<hbm>> -> memref<56x1024xf32, #tpu.memory_space<hbm>>
    tpu.wait_dma2 semaphore(%arg11 : memref<!tpu.dma_semaphore, #tpu.memory_space<semaphore_mem>>) src(%arg7 : memref<56x1024xf32, #tpu.memory_space<vmem>>) dst(%dma_wait3A_199 : memref<56x1024xf32, #tpu.memory_space<hbm>>)
    %dma_start3A_200 = arith.constant 9 : i32
    %dma_start3A_201 = arith.constant 0 : i32
    %dma_start3A_202 = arith.constant 0 : i32
    %dma_start3A_203 = tpu.memref_slice %arg7[%dma_start3A_201, %dma_start3A_202] : memref<56x1024xf32, #tpu.memory_space<vmem>> -> memref<8x1024xf32, #tpu.memory_space<vmem>>
    %dma_start3A_204 = arith.constant 0 : i32
    %dma_start3A_205 = tpu.memref_slice %arg5[%dma_start3A_200, %dma_start3A_204] : memref<10x56xi32, #tpu.memory_space<vmem>> -> memref<1x8xi32, #tpu.memory_space<vmem>>
    %dma_start3A_206 = tpu.memref_squeeze %dma_start3A_205 : memref<1x8xi32, #tpu.memory_space<vmem>> -> memref<8xi32, #tpu.memory_space<vmem>>
    %dma_start3A_207 = arith.constant 0 : i32
    %dma_start3A_208 = arith.constant 0 : i32
    %dma_start3A_209 = tpu.memref_slice %arg2[%dma_start3A_207, %dma_start3A_208] : memref<16384x1024xf32, #tpu.memory_space<hbm>> -> memref<16384x1024xf32, #tpu.memory_space<hbm>>
    tpu.enqueue_indirect_dma source(%dma_start3A_209 : memref<16384x1024xf32, #tpu.memory_space<hbm>>) target(%dma_start3A_203 : memref<8x1024xf32, #tpu.memory_space<vmem>>) offsets(%dma_start3A_206 : memref<8xi32, #tpu.memory_space<vmem>>) semaphore(%arg9 : memref<!tpu.dma_semaphore, #tpu.memory_space<semaphore_mem>>)
    %dma_wait3A_210 = arith.constant 8 : i32
    %dma_wait3A_211 = arith.constant 0 : i32
    %dma_wait3A_212 = tpu.memref_slice %arg5[%dma_wait3A_210, %dma_wait3A_211] : memref<10x56xi32, #tpu.memory_space<vmem>> -> memref<1x56xi32, #tpu.memory_space<vmem>>
    %dma_wait3A_213 = tpu.memref_squeeze %dma_wait3A_212 : memref<1x56xi32, #tpu.memory_space<vmem>> -> memref<56xi32, #tpu.memory_space<vmem>>
    %dma_wait3A_214 = arith.constant 0 : i32
    %dma_wait3A_215 = arith.constant 0 : i32
    %dma_wait3A_216 = tpu.memref_slice %arg2[%dma_wait3A_214, %dma_wait3A_215] : memref<16384x1024xf32, #tpu.memory_space<hbm>> -> memref<16384x1024xf32, #tpu.memory_space<hbm>>
    tpu.wait_indirect_dma semaphore(%arg8 : memref<!tpu.dma_semaphore, #tpu.memory_space<semaphore_mem>>) src(%dma_wait3A_216 : memref<16384x1024xf32, #tpu.memory_space<hbm>>) dst(%arg6 : memref<56x1024xf32, #tpu.memory_space<vmem>>)
    %add3A_217 = arith.constant 448 : i32
    %add3A_218 = arith.addi %mul3A_2, %add3A_217 : i32
    %dma_start3A_219 = arith.constant 0 : i32
    %dma_start3A_220 = tpu.memref_slice %arg4[%add3A_218, %dma_start3A_219] : memref<16384x1024xf32, #tpu.memory_space<hbm>> -> memref<56x1024xf32, #tpu.memory_space<hbm>>
    %dma_start3A_221 = arith.constant 0 : i32
    %dma_start3A_222 = tpu.memref_slice %arg4[%add3A_218, %dma_start3A_221] : memref<16384x1024xf32, #tpu.memory_space<hbm>> -> memref<56x1024xf32, #tpu.memory_space<hbm>>
    tpu.enqueue_dma source(%arg6 : memref<56x1024xf32, #tpu.memory_space<vmem>>) target(%dma_start3A_222 : memref<56x1024xf32, #tpu.memory_space<hbm>>) target_semaphore(%arg10 : memref<!tpu.dma_semaphore, #tpu.memory_space<semaphore_mem>>)
    %dma_wait3A_223 = arith.constant 0 : i32
    %dma_wait3A_224 = tpu.memref_slice %arg4[%add3A_218, %dma_wait3A_223] : memref<16384x1024xf32, #tpu.memory_space<hbm>> -> memref<56x1024xf32, #tpu.memory_space<hbm>>
    %dma_wait3A_225 = arith.constant 0 : i32
    %dma_wait3A_226 = tpu.memref_slice %arg4[%add3A_218, %dma_wait3A_225] : memref<16384x1024xf32, #tpu.memory_space<hbm>> -> memref<56x1024xf32, #tpu.memory_space<hbm>>
    tpu.wait_dma2 semaphore(%arg10 : memref<!tpu.dma_semaphore, #tpu.memory_space<semaphore_mem>>) src(%arg6 : memref<56x1024xf32, #tpu.memory_space<vmem>>) dst(%dma_wait3A_226 : memref<56x1024xf32, #tpu.memory_space<hbm>>)
    %dma_wait3A_227 = arith.constant 9 : i32
    %dma_wait3A_228 = arith.constant 0 : i32
    %dma_wait3A_229 = arith.constant 0 : i32
    %dma_wait3A_230 = tpu.memref_slice %arg7[%dma_wait3A_228, %dma_wait3A_229] : memref<56x1024xf32, #tpu.memory_space<vmem>> -> memref<8x1024xf32, #tpu.memory_space<vmem>>
    %dma_wait3A_231 = arith.constant 0 : i32
    %dma_wait3A_232 = tpu.memref_slice %arg5[%dma_wait3A_227, %dma_wait3A_231] : memref<10x56xi32, #tpu.memory_space<vmem>> -> memref<1x8xi32, #tpu.memory_space<vmem>>
    %dma_wait3A_233 = tpu.memref_squeeze %dma_wait3A_232 : memref<1x8xi32, #tpu.memory_space<vmem>> -> memref<8xi32, #tpu.memory_space<vmem>>
    %dma_wait3A_234 = arith.constant 0 : i32
    %dma_wait3A_235 = arith.constant 0 : i32
    %dma_wait3A_236 = tpu.memref_slice %arg2[%dma_wait3A_234, %dma_wait3A_235] : memref<16384x1024xf32, #tpu.memory_space<hbm>> -> memref<16384x1024xf32, #tpu.memory_space<hbm>>
    tpu.wait_indirect_dma semaphore(%arg9 : memref<!tpu.dma_semaphore, #tpu.memory_space<semaphore_mem>>) src(%dma_wait3A_236 : memref<16384x1024xf32, #tpu.memory_space<hbm>>) dst(%dma_wait3A_230 : memref<8x1024xf32, #tpu.memory_space<vmem>>)
    %add3A_237 = arith.constant 504 : i32
    %add3A_238 = arith.addi %mul3A_2, %add3A_237 : i32
    %dma_start3A_239 = arith.constant 0 : i32
    %dma_start3A_240 = arith.constant 0 : i32
    %dma_start3A_241 = tpu.memref_slice %arg7[%dma_start3A_239, %dma_start3A_240] : memref<56x1024xf32, #tpu.memory_space<vmem>> -> memref<8x1024xf32, #tpu.memory_space<vmem>>
    %dma_start3A_242 = arith.constant 0 : i32
    %dma_start3A_243 = tpu.memref_slice %arg4[%add3A_238, %dma_start3A_242] : memref<16384x1024xf32, #tpu.memory_space<hbm>> -> memref<8x1024xf32, #tpu.memory_space<hbm>>
    %dma_start3A_244 = arith.constant 0 : i32
    %dma_start3A_245 = tpu.memref_slice %arg4[%add3A_238, %dma_start3A_244] : memref<16384x1024xf32, #tpu.memory_space<hbm>> -> memref<8x1024xf32, #tpu.memory_space<hbm>>
    %dma_start3A_246 = arith.constant 0 : i32
    %dma_start3A_247 = arith.constant 0 : i32
    %dma_start3A_248 = tpu.memref_slice %arg7[%dma_start3A_246, %dma_start3A_247] : memref<56x1024xf32, #tpu.memory_space<vmem>> -> memref<8x1024xf32, #tpu.memory_space<vmem>>
    tpu.enqueue_dma source(%dma_start3A_248 : memref<8x1024xf32, #tpu.memory_space<vmem>>) target(%dma_start3A_245 : memref<8x1024xf32, #tpu.memory_space<hbm>>) target_semaphore(%arg11 : memref<!tpu.dma_semaphore, #tpu.memory_space<semaphore_mem>>)
    %dma_wait3A_249 = arith.constant 0 : i32
    %dma_wait3A_250 = arith.constant 0 : i32
    %dma_wait3A_251 = tpu.memref_slice %arg7[%dma_wait3A_249, %dma_wait3A_250] : memref<56x1024xf32, #tpu.memory_space<vmem>> -> memref<8x1024xf32, #tpu.memory_space<vmem>>
    %dma_wait3A_252 = arith.constant 0 : i32
    %dma_wait3A_253 = tpu.memref_slice %arg4[%add3A_238, %dma_wait3A_252] : memref<16384x1024xf32, #tpu.memory_space<hbm>> -> memref<8x1024xf32, #tpu.memory_space<hbm>>
    %dma_wait3A_254 = arith.constant 0 : i32
    %dma_wait3A_255 = tpu.memref_slice %arg4[%add3A_238, %dma_wait3A_254] : memref<16384x1024xf32, #tpu.memory_space<hbm>> -> memref<8x1024xf32, #tpu.memory_space<hbm>>
    %dma_wait3A_256 = arith.constant 0 : i32
    %dma_wait3A_257 = arith.constant 0 : i32
    %dma_wait3A_258 = tpu.memref_slice %arg7[%dma_wait3A_256, %dma_wait3A_257] : memref<56x1024xf32, #tpu.memory_space<vmem>> -> memref<8x1024xf32, #tpu.memory_space<vmem>>
    tpu.wait_dma2 semaphore(%arg11 : memref<!tpu.dma_semaphore, #tpu.memory_space<semaphore_mem>>) src(%dma_wait3A_258 : memref<8x1024xf32, #tpu.memory_space<vmem>>) dst(%dma_wait3A_255 : memref<8x1024xf32, #tpu.memory_space<hbm>>)
    return
  }
}

</mosaic_0001>

<sc_bundles>
// kernel: kernel.3.cloned.1.call-start
scs
__scs_entry_jumppad:
0x0: {  	(pc) =	sbr.rel $0x88, $3  }
0x1: {  	(tag) =	ssettag $0x0;
	lr =	simm.s32 $0x1  }
0x2: {  	[smem:$0x3FA0] =	sst lr;
	_ =	strace $0xD0000000  }
0x3: {  	_ = 	snop  }
0x4: {  	_ = 	snop  }
0x5: {  	_ = 	snop  }
0x6: {  	_ = 	snop  }
0x7: {  	_ = 	snop  }
__scs_overlays_trampoline_lowered:
0x8: {  	[smem:$0x3FAF] =	sst s0  }
0x9: {  	[smem:$0x3FB0] =	sst s1  }
0xa: {  	[smem:$0x3FB1] =	sst s2  }
0xb: {  	[smem:$0x3FB2] =	sst s3  }
0xc: {  	[smem:$0x3FB3] =	sst s4  }
0xd: {  	[smem:$0x3FB4] =	sst s5  }
0xe: {  	[smem:$0x3FB5] =	sst s6  }
0xf: {  	[smem:$0x3FB6] =	sst s7  }
0x10: {  	[smem:$0x3FB7] =	sst s8  }
0x11: {  	[smem:$0x3FB8] =	sst s9;
	s0 =	simm.s32 @!p0 $0x0  }
0x12: {  	s1 =	sld [smem:$0x3F9E];
	s0 =	simm.s32 @p0 $0x1  }
0x13: {  	[smem:$0x3FB9] =	sst s0;
	s0 =	simm.s32 @!p1 $0x0  }
0x14: {  	s2 =	sld [smem:$0x3F9D];
	s0 =	simm.s32 @p1 $0x1  }
0x15: {  	[smem:$0x3FBA] =	sst s0;
	s0 =	simm.s32 @!p2 $0x0  }
0x16: {  	s3 =	sld [smem:$0x3FDB];
	s0 =	simm.s32 @p2 $0x1  }
0x17: {  	s4 =	simm.s32 $0x1BF5;
	[smem:$0x3FBC] =	sst s0  }
0x18: {  	s0 =	sld [smem:$0x3F9F];
	_ =	swait.ge [sflag:s4], $0x0  }
0x19: {  	s7 =	sld [smem:$0x3FA0]  }
0x1a: {  	s8 =	sadd.s32 $0xFFFFE003, lr  }
0x1b: {  	s9 =	sadd.s32 $0xFFFFFEF7, lr;
	s5 =	simm.s32 $0xFFFFFFFF;
	p2 =	slt.u32 s8, $0xFFFFF086  }
0x1c: {  	p1 =	slt.u32 s9, $0xF7A;
	s5 =	simm.s32 @!p2 $0x0  }
0x1d: {  	s5 =	simm.s32 @p1 $0x1;
	p0 =	seq.s32 s7, s2  }
0x1e: {  	s7 =	smul.u32 @!p0 $0xF7A, s2;
	p2 =	seq.s32 @!p0 s5, $0x0  }
0x1f: {  	s9 =	smul.u32 $0xF7A, s1;
	s8 =	simm.s32 @!p0 $0x1BF5;
	p2 =	por !p2, p0  }
0x20: {  	[sflag:s8] =	ssyncset.s32 @!p0 $0xFFFFF086;
	s6 =	sadd.s32 @!p0 s3, s7;
	s7 =	simm.s32 @!p0 $0x108  }
0x21: {  	s3 =	sadd.s32 s3, s9;
	s6 =	sadd.s32 @!p0 $0x88, s6;
	s7 =	simm.s32 @p2 $0x1082  }
0x22: {  	[simem:s7], [sflag:s8] =	dma.local @!p0 [hbm:s6], $0xF7A  }
0x23: {  	s9 =	sor.u32 $0xD0000000, s2;
	s6 =	simm.s32 $0x108;
	_ =	swait.ge @!p0 [sflag:s8], $0x0  }
0x24: {  	s3 =	sadd.s32 $0x88, s3;
	s6 =	simm.s32 @!p1 $0x1082;
	[sflag:s4] =	ssyncset.s32 $0xFFFFF086  }
0x25: {  	[simem:s6], [sflag:s4] =	dma.local [hbm:s3], $0xF7A  }
0x26: {  	[smem:$0x3FA0] =	sst s1;
	(tag) =	ssettag s2;
	_ =	strace s9  }
0x27: {  	s1 =	sld [smem:$0x3FB0]  }
0x28: {  	s2 =	sld [smem:$0x3FB1]  }
0x29: {  	s4 =	sld [smem:$0x3FB3]  }
0x2a: {  	p0 =	seq.s32 s5, $0x0;
	s5 =	sld [smem:$0x3FB4]  }
0x2b: {  	s6 =	sld [smem:$0x3FB5]  }
0x2c: {  	s7 =	sld [smem:$0x3FB6]  }
0x2d: {  	s3 =	simm.s32 $0x108;
	s8 =	sld [smem:$0x3FB7]  }
0x2e: {  	s3 =	simm.s32 @!p0 $0x1082;
	s9 =	sld [smem:$0x3FB8]  }
0x2f: {  	lr =	sadd.s32 s0, s3;
	s0 =	sld [smem:$0x3FAF]  }
0x30: {  	s3 =	sld [smem:$0x3FB2]  }
0x31: {  	[smem:$0x3FBB] =	sst s10  }
0x32: {  	s10 =	sld [smem:$0x3FB9];
	_ =	sdelay $0x3  }
0x33: {  	p0 =	seq.s32 s10, $0x1;
	s10 =	sld [smem:$0x3FBB];
	_ =	sdelay $0x3  }
0x34: {  	[smem:$0x3FBB] =	sst s10  }
0x35: {  	s10 =	sld [smem:$0x3FBA];
	_ =	sdelay $0x3  }
0x36: {  	p1 =	seq.s32 s10, $0x1;
	s10 =	sld [smem:$0x3FBB];
	_ =	sdelay $0x3  }
0x37: {  	[smem:$0x3FBB] =	sst s10  }
0x38: {  	s10 =	sld [smem:$0x3FBC]  }
0x39: {  	_ = 	snop;
	(pc) =	sbr.ind lr, $3  }
0x3a: {  	_ = 	snop  }
0x3b: {  	_ = 	snop  }
0x3c: {  	p2 =	seq.s32 s10, $0x1;
	s10 =	sld [smem:$0x3FBB]  }
0x3d: {  	_ =	shalt  }
0x3e: {  	_ =	shalt  }
0x3f: {  	_ =	shalt  }
0x40: {  	_ =	shalt  }
0x41: {  	_ =	shalt  }
0x42: {  	_ =	shalt  }
0x43: {  	_ =	shalt  }
0x44: {  	_ =	shalt  }
0x45: {  	_ =	shalt  }
0x46: {  	_ =	shalt  }
0x47: {  	_ =	shalt  }
0x48: {  	_ =	shalt  }
0x49: {  	_ =	shalt  }
0x4a: {  	_ =	shalt  }
0x4b: {  	_ =	shalt  }
0x4c: {  	_ =	shalt  }
0x4d: {  	_ =	shalt  }
0x4e: {  	_ =	shalt  }
0x4f: {  	_ =	shalt  }
0x50: {  	_ =	shalt  }
0x51: {  	_ =	shalt  }
0x52: {  	_ =	shalt  }
0x53: {  	_ =	shalt  }
0x54: {  	_ =	shalt  }
0x55: {  	_ =	shalt  }
0x56: {  	_ =	shalt  }
0x57: {  	_ =	shalt  }
0x58: {  	_ =	shalt  }
0x59: {  	_ =	shalt  }
0x5a: {  	_ =	shalt  }
0x5b: {  	_ =	shalt  }
0x5c: {  	_ =	shalt  }
0x5d: {  	_ =	shalt  }
0x5e: {  	_ =	shalt  }
0x5f: {  	_ =	shalt  }
0x60: {  	_ =	shalt  }
0x61: {  	_ =	shalt  }
0x62: {  	_ =	shalt  }
0x63: {  	_ =	shalt  }
0x64: {  	_ =	shalt  }
0x65: {  	_ =	shalt  }
0x66: {  	_ =	shalt  }
0x67: {  	_ =	shalt  }
0x68: {  	_ =	shalt  }
0x69: {  	_ =	shalt  }
0x6a: {  	_ =	shalt  }
0x6b: {  	_ =	shalt  }
0x6c: {  	_ =	shalt  }
0x6d: {  	_ =	shalt  }
0x6e: {  	_ =	shalt  }
0x6f: {  	_ =	shalt  }
0x70: {  	_ =	shalt  }
0x71: {  	_ =	shalt  }
0x72: {  	_ =	shalt  }
0x73: {  	_ =	shalt  }
0x74: {  	_ =	shalt  }
0x75: {  	_ =	shalt  }
0x76: {  	_ =	shalt  }
0x77: {  	_ =	shalt  }
0x78: {  	_ =	shalt  }
0x79: {  	_ =	shalt  }
0x7a: {  	_ =	shalt  }
0x7b: {  	_ =	shalt  }
0x7c: {  	_ =	shalt  }
0x7d: {  	_ =	shalt  }
0x7e: {  	_ =	shalt  }
0x7f: {  	_ =	shalt  }
0x80: {  	_ =	shalt  }
0x81: {  	_ =	shalt  }
0x82: {  	_ =	shalt  }
0x83: {  	_ =	shalt  }
0x84: {  	_ =	shalt  }
0x85: {  	_ =	shalt  }
0x86: {  	_ =	shalt  }
0x87: {  	_ =	shalt  }
.Lfunc_end0:
.L_simem_size_0:
called_computation_lowered:
.L_overlay_start_0:
0x88: {  	s2 =	sld [smem:$0x3FD9]  }
0x89: {  	s3 =	sld [smem:$0x3FFE];
	_ =	sdelay $0x1  }
0x8a: {  	s1 =	srdreg.scid  }
0x8b: {  	s0 =	sand.u32 $0x1, s1  }
0x8c: {  	s17 =	sshll.u32 s0, $0xA;
	s2 =	sadd.s32 s3, s2  }
0x8d: {  	s2 =	sadd.s32 s2, s17  }
0x8e: {  	[smem:$0x3FC7] =	sst s2  }
0x8f: {  	_ = 	snop  }
0x90: {  	s2 =	sld [smem:$0x3FC9]  }
0x91: {  	s18 =	sld [smem:$0x3FD0];
	(tm) =	ssettm $0x1  }
0x92: {  	s4 =	sld [smem:$0x3FFB];
	_ =	sdelay $0x3  }
0x93: {  	_ =	strace s4  }
0x94: {  	s4 =	sld [smem:$0x3FFC];
	_ =	sdelay $0x3  }
0x95: {  	_ =	strace s4  }
0x96: {  	s4 =	sld [smem:$0x3FFD];
	_ =	sdelay $0x3  }
0x97: {  	_ =	strace s4  }
0x98: {  	_ =	strace $0x8FFFFFFF  }
0x99: {  	s19 =	sld [smem:$0x3FDB];
	_ =	sdelay $0x1  }
0x9a: {  	s5 =	simm.s32 $_scs_section_size  }
0x9b: {  	s6 =	simm.s32 $_size__tile_overlayer_lowered;
	s7 =	simm.s32 $_tile_overlayer_lowered  }
0x9c: {  	s22 =	simm.s32 $0x1BFF;
	s21 =	sshll.u32 s7, $0x1;
	s4 =	sadd.s32 s5, s19  }
0x9d: {  	s8 =	simm.s32 $0x0;
	s20 =	sshll.u32 s6, $0x1;
	s6 =	sadd.s32 s21, s4  }
0x9e: {  	[timem:s8], [sflag:s22] =	dma.local [hbm:s6], s20  }
0x9f: {  	_ =	swait.ge [sflag:s22], s20  }
0xa0: {  	s5 =	ssub.s32 $0x0, s20;
	[sflag:s22] =	ssyncset.done $0x0  }
0xa1: {  	[sflag:s22] =	ssyncadd.s32 s5;
	_ =	sdelay $0x1  }
0xa2: {  	s23 =	simm.s32 $0x1B8B  }
0xa3: {  	_ =	swait.ge [sflag:s23], $0x1  }
0xa4: {  	[sflag:s23] =	ssyncset.done $0x0  }
0xa5: {  	s25 =	simm.s32 $0x1B8E;
	s24 =	sld [smem:$0x3FFE];
	[sflag:s23] =	ssyncadd.s32 $0xFFFFFFFF  }
0xa6: {  	s26 =	simm.s32 $execute0_lowered;
	[smem:$0x3FD2] =	sst s25  }
0xa7: {  	s6 =	sshll.u32 s26, $0x1;
	_ =	strace $0x80000046;
	[dreg:$0x1] =	wrdreg $0xFFFFFFFF  }
0xa8: {  	s28 =	simm.s32 $_size_execute0_lowered;
	s4 =	sadd.s32 s4, s6;
	[dreg:$0x0] =	wrdreg $0x0  }
0xa9: {  	s6 =	sshll.u32 s28, $0x1;
	[dreg:$0x2] =	wrdreg s4  }
0xaa: {  	[dreg:$0x3] =	wrdreg s6  }
0xab: {  	[dreg:$0x4] =	wrdreg $0xC0  }
0xac: {  	_ =	task [dreg:s8], $0x5FFFF  }
0xad: {  	[dreg:$0x1] =	wrdreg $0xFFFFFFFF  }
0xae: {  	[dreg:$0x0] =	wrdreg $0x60  }
0xaf: {  	[dreg:$0x2] =	wrdreg s2  }
0xb0: {  	[dreg:$0x3] =	wrdreg s24  }
0xb1: {  	[dreg:$0x4] =	wrdreg s18  }
0xb2: {  	[dreg:$0x5] =	wrdreg $0x9  }
0xb3: {  	_ =	task.clear_ibuf [dreg:s8], $0x6FFFF;
	_ =	strace $0x90000046  }
0xb4: {  	s29 =	simm.s32 $0x9;
	_ =	strace $0x80000048  }
0xb5: {  	_ =	swait.ge [sflag:s29], $0x1  }
0xb6: {  	[sflag:s29] =	ssyncadd.s32 $0xFFFFFFFF  }
0xb7: {  	_ =	strace $0x90000048  }
0xb8: {  	_ =	sfence  }
0xb9: {  	s30 =	sld [smem:$0x0];
	_ =	sdelay $0x2  }
0xba: {  	s31 =	sshll.u32 s1, $0xD;
	s1 =	sshrl.u32 s1, $0x2  }
0xbb: {  	s3 =	sand.u32 $0x4000, s31;
	s1 =	sadd.s32 s1, s30  }
0xbc: {  	s0 =	sor.u32 s3, s0;
	s1 =	sshll.u32 s1, $0x11  }
0xbd: {  	s0 =	sor.u32 s1, s0  }
0xbe: {  	s0 =	sadd.s32 $0x8F2B, s0  }
0xbf: {  	[sflag:s0] =	ssyncadd.remote.s32 $0x1  }
0xc0: {  	_ =	sfence.sel $0xFFFF  }
0xc1: {  	[dreg:$0x0] =	wrdreg $0xFFFFFFFF;
	(pc) =	sbr.abs _section_cstart, $3  }
0xc2: {  	[dreg:$0x1] =	wrdreg $0xFFFFFFFF  }
0xc3: {  	_ =	task.clear_ibuf [dreg:s8], $0x2FFFF;
	_ =	strace $0x9FFFFFFF  }
0xc4: {  	(tm) =	ssettm $0x7FFFFFFF  }
0xc5: {  	_ =	shalt  }
tec
execute0_lowered:
.L_overlay_start_1:
0x0: {  	(tag) =	ssettag $0x1  }
0x1: {  	s1 =	rddreg [dreg:$0x0]  }
0x2: {  	s0 =	srdreg.scid;
	s3 =	stileid.u32  }
0x3: {  	s2 =	rddreg [dreg:$0x1];
	s0 =	sand.u32 $0x1, s0;
	s3 =	sshll.u32 s3, $0x1  }
0x4: {  	s4 =	rddreg [dreg:$0x2];
	s18 =	simm.s32 $0x1;
	s5 =	sor.u32 s0, s3  }
0x5: {  	s3 =	simm.s32 $0x0;
	s6 =	sshll.u32 s5, $0x8;
	s5 =	sshll.u32 s5, $0x10  }
0x6: {  	[smem:$0x7FF] =	sst s3;
	s2 =	sadd.s32 s6, s2;
	s8 =	sadd.s32 s4, s5  }
0x7: {  	_ =	strace $0x80000047;
	s2 =	sadd.s32 $0x400, s2;
	[dreg:$0xe] =	wrdreg s8  }
0x8: {  	s19 =	simm.s32 $0x3;
	s21 =	sadd.s32 $0x1C00, s8;
	[dreg:$0x4] =	wrdreg s2  }
0x9: {  	s20 =	simm.s32 $0x2;
	s22 =	sadd.s32 $0x3800, s8;
	[dreg:$0x5] =	wrdreg s21  }
0xa: {  	s7 =	sadd.s32 $0x300, s1;
	s23 =	sadd.s32 $0x5400, s8;
	[dreg:$0x6] =	wrdreg s22  }
0xb: {  	s0 =	ssub.s32 $0x2, s0;
	s24 =	sadd.s32 $0x7000, s8;
	[dreg:$0x7] =	wrdreg s23  }
0xc: {  	s25 =	sshrl.u32 s0, $0x1;
	s26 =	sadd.s32 $0x8C00, s8;
	[dreg:$0x8] =	wrdreg s24  }
0xd: {  	s0 =	ssub.s32 s0, s25;
	s28 =	sadd.s32 $0xA800, s8;
	[dreg:$0x9] =	wrdreg s26  }
0xe: {  	s5 =	sadd.s32 $0x100, s1;
	s29 =	sadd.s32 $0xC400, s8;
	[dreg:$0xa] =	wrdreg s28  }
0xf: {  	v2 =	vlaneseq.u32;
	s6 =	sadd.s32 $0x200, s1;
	s30 =	sadd.s32 $0xE000, s8;
	[dreg:$0xb] =	wrdreg s29  }
0x10: {  	vm0 =	vmmov $0xffff;
	v1 =	vshrl.u32 v2, $0x3;
	s31 =	sadd.s32 $0xFC00, s8;
	s8 =	smax.u32 s0, $0x1;
	[dreg:$0xc] =	wrdreg s30  }
0x11: {  	v0 =	vand.u32 $0x7, v2;
	v2 =	vor.u32 $0x8, v2;
	v1 =	vmul.u32 $0x8, v1;
	[dreg:$0xd] =	wrdreg s31;
	s21 =	simm.s32 $0x4;
	s2 =	simm.s32 $0xE800  }
.LBB2_1:
0x12: {  	s22 =	rddreg [dreg:$0x4];
	s15 =	simm.s32 $0x5  }
0x13: {  	[tilespmem:s3], [sflag:$0x5] =	stream.linear.gather [hbm4b:s22+s3], $0x500, $0x38;
	[tilespmem:$0x1C800] =	vst v63  }
0x14: {  	_ =	swait.ge [sflag:s15], $0x500  }
0x15: {  	[sflag:s15] =	ssyncset.done $0x0  }
0x16: {  	[sflag:s15] =	ssyncadd.s32 $0xFFFFFB00  }
0x17: {  	v3 =	vld [tilespmem:$0x0];
	_ =	sdelay $0x4  }
0x18: {  	v4 =	vshll.u32 v3, $0x3  }
0x19: {  	v3 =	vand.u32 $0x7, v3;
	v4 =	vand.u32 $0xFFFFFFC0, v4  }
0x1a: {  	v3 =	vor.u32 v3, v4  }
0x1b: {  	v4 =	vperm.xlane v3, v0;
	_ =	sdelay $0x1  }
0x1c: {  	v4 =	vadd.s32 v1, v4;
	_ =	sdelay $0x3  }
0x1d: {  	s0 =	simm.s32 $0x800  }
0x1e: {  	[tilespmem:s0], [sflag:$0x1] =	stream.indirect_vreg.gather [hbm4b:s1+s3], $0x80, v4, vm0, $0xb8;
	[tilespmem:$0x1C800] =	vst v63  }
0x1f: {  	s16 =	simm.s32 $0x1000;
	v3 =	vperm.xlane v3, v2  }
0x20: {  	[tilespmem:s16], [sflag:$0x1] =	stream.indirect_vreg.gather [hbm4b:s5+s3], $0x80, v4, vm0, $0xb8;
	[tilespmem:$0x1C800] =	vst v63  }
0x21: {  	s17 =	simm.s32 $0x1800;
	v3 =	vadd.s32 v1, v3  }
0x22: {  	[tilespmem:s17], [sflag:$0x1] =	stream.indirect_vreg.gather [hbm4b:s6+s3], $0x80, v4, vm0, $0xb8;
	[tilespmem:$0x1C800] =	vst v63  }
0x23: {  	s22 =	simm.s32 $0x2000  }
0x24: {  	[tilespmem:s22], [sflag:$0x1] =	stream.indirect_vreg.gather [hbm4b:s7+s3], $0x80, v4, vm0, $0xb8;
	[tilespmem:$0x1C800] =	vst v63  }
0x25: {  	s23 =	simm.s32 $0x2800  }
0x26: {  	[tilespmem:s23], [sflag:$0x1] =	stream.indirect_vreg.gather [hbm4b:s1+s3], $0x80, v3, vm0, $0xb8;
	[tilespmem:$0x1C800] =	vst v63  }
0x27: {  	s24 =	simm.s32 $0x3000  }
0x28: {  	[tilespmem:s24], [sflag:$0x1] =	stream.indirect_vreg.gather [hbm4b:s5+s3], $0x80, v3, vm0, $0xb8;
	[tilespmem:$0x1C800] =	vst v63  }
0x29: {  	s25 =	simm.s32 $0x3800  }
0x2a: {  	[tilespmem:s25], [sflag:$0x1] =	stream.indirect_vreg.gather [hbm4b:s6+s3], $0x80, v3, vm0, $0xb8;
	[tilespmem:$0x1C800] =	vst v63  }
0x2b: {  	s26 =	simm.s32 $0x4000  }
0x2c: {  	[tilespmem:s26], [sflag:$0x1] =	stream.indirect_vreg.gather [hbm4b:s7+s3], $0x80, v3, vm0, $0xb8;
	[tilespmem:$0x1C800] =	vst v63  }
0x2d: {  	v3 =	vld [tilespmem:$0x10];
	_ =	sdelay $0x4  }
0x2e: {  	v28 =	vshll.u32 v3, $0x3  }
0x2f: {  	v3 =	vand.u32 $0x7, v3;
	v4 =	vand.u32 $0xFFFFFFC0, v28  }
0x30: {  	v3 =	vor.u32 v3, v4  }
0x31: {  	v4 =	vperm.xlane v3, v0;
	_ =	sdelay $0x1  }
0x32: {  	v4 =	vadd.s32 v1, v4;
	_ =	sdelay $0x3  }
0x33: {  	s28 =	simm.s32 $0x4800  }
0x34: {  	[tilespmem:s28], [sflag:$0x1] =	stream.indirect_vreg.gather [hbm4b:s1+s3], $0x80, v4, vm0, $0xb8;
	[tilespmem:$0x1C800] =	vst v63  }
0x35: {  	s29 =	simm.s32 $0x5000;
	v3 =	vperm.xlane v3, v2  }
0x36: {  	[tilespmem:s29], [sflag:$0x1] =	stream.indirect_vreg.gather [hbm4b:s5+s3], $0x80, v4, vm0, $0xb8;
	[tilespmem:$0x1C800] =	vst v63  }
0x37: {  	s30 =	simm.s32 $0x5800;
	v3 =	vadd.s32 v1, v3  }
0x38: {  	[tilespmem:s30], [sflag:$0x1] =	stream.indirect_vreg.gather [hbm4b:s6+s3], $0x80, v4, vm0, $0xb8;
	[tilespmem:$0x1C800] =	vst v63  }
0x39: {  	s31 =	simm.s32 $0x6000  }
0x3a: {  	[tilespmem:s31], [sflag:$0x1] =	stream.indirect_vreg.gather [hbm4b:s7+s3], $0x80, v4, vm0, $0xb8;
	[tilespmem:$0x1C800] =	vst v63  }
0x3b: {  	s10 =	simm.s32 $0x6800  }
0x3c: {  	[tilespmem:s10], [sflag:$0x1] =	stream.indirect_vreg.gather [hbm4b:s1+s3], $0x80, v3, vm0, $0xb8;
	[tilespmem:$0x1C800] =	vst v63  }
0x3d: {  	s11 =	simm.s32 $0x7000  }
0x3e: {  	[tilespmem:s11], [sflag:$0x1] =	stream.indirect_vreg.gather [hbm4b:s5+s3], $0x80, v3, vm0, $0xb8;
	[tilespmem:$0x1C800] =	vst v63  }
0x3f: {  	s15 =	simm.s32 $0x7800  }
0x40: {  	[tilespmem:s15], [sflag:$0x1] =	stream.indirect_vreg.gather [hbm4b:s6+s3], $0x80, v3, vm0, $0xb8;
	[tilespmem:$0x1C800] =	vst v63  }
0x41: {  	s16 =	simm.s32 $0x8000  }
0x42: {  	[tilespmem:s16], [sflag:$0x1] =	stream.indirect_vreg.gather [hbm4b:s7+s3], $0x80, v3, vm0, $0xb8;
	[tilespmem:$0x1C800] =	vst v63  }
0x43: {  	v3 =	vld [tilespmem:$0x20];
	_ =	sdelay $0x4  }
0x44: {  	v29 =	vshll.u32 v3, $0x3  }
0x45: {  	v3 =	vand.u32 $0x7, v3;
	v4 =	vand.u32 $0xFFFFFFC0, v29  }
0x46: {  	v3 =	vor.u32 v3, v4  }
0x47: {  	v4 =	vperm.xlane v3, v0;
	_ =	sdelay $0x1  }
0x48: {  	v4 =	vadd.s32 v1, v4;
	_ =	sdelay $0x3  }
0x49: {  	s17 =	simm.s32 $0x8800  }
0x4a: {  	[tilespmem:s17], [sflag:$0x1] =	stream.indirect_vreg.gather [hbm4b:s1+s3], $0x80, v4, vm0, $0xb8;
	[tilespmem:$0x1C800] =	vst v63  }
0x4b: {  	s22 =	simm.s32 $0x9000;
	v3 =	vperm.xlane v3, v2  }
0x4c: {  	[tilespmem:s22], [sflag:$0x1] =	stream.indirect_vreg.gather [hbm4b:s5+s3], $0x80, v4, vm0, $0xb8;
	[tilespmem:$0x1C800] =	vst v63  }
0x4d: {  	s23 =	simm.s32 $0x9800;
	v3 =	vadd.s32 v1, v3  }
0x4e: {  	[tilespmem:s23], [sflag:$0x1] =	stream.indirect_vreg.gather [hbm4b:s6+s3], $0x80, v4, vm0, $0xb8;
	[tilespmem:$0x1C800] =	vst v63  }
0x4f: {  	s26 =	simm.s32 $0xA000  }
0x50: {  	[tilespmem:s26], [sflag:$0x1] =	stream.indirect_vreg.gather [hbm4b:s7+s3], $0x80, v4, vm0, $0xb8;
	[tilespmem:$0x1C800] =	vst v63  }
0x51: {  	s28 =	simm.s32 $0xA800  }
0x52: {  	[tilespmem:s28], [sflag:$0x1] =	stream.indirect_vreg.gather [hbm4b:s1+s3], $0x80, v3, vm0, $0xb8;
	[tilespmem:$0x1C800] =	vst v63  }
0x53: {  	s29 =	simm.s32 $0xB000  }
0x54: {  	[tilespmem:s29], [sflag:$0x1] =	stream.indirect_vreg.gather [hbm4b:s5+s3], $0x80, v3, vm0, $0xb8;
	[tilespmem:$0x1C800] =	vst v63  }
0x55: {  	s30 =	simm.s32 $0xB800  }
0x56: {  	[tilespmem:s30], [sflag:$0x1] =	stream.indirect_vreg.gather [hbm4b:s6+s3], $0x80, v3, vm0, $0xb8;
	[tilespmem:$0x1C800] =	vst v63  }
0x57: {  	s31 =	simm.s32 $0xC000  }
0x58: {  	[tilespmem:s31], [sflag:$0x1] =	stream.indirect_vreg.gather [hbm4b:s7+s3], $0x80, v3, vm0, $0xb8;
	[tilespmem:$0x1C800] =	vst v63  }
0x59: {  	v3 =	vld.msk [tilespmem:$0x30], $0xff;
	_ =	sdelay $0x4  }
0x5a: {  	v30 =	vshll.u32 v3, $0x3  }
0x5b: {  	v3 =	vand.u32 $0x7, v3;
	v4 =	vand.u32 $0xFFFFFFC0, v30  }
0x5c: {  	v3 =	vor.u32 v3, v4  }
0x5d: {  	v3 =	vperm.xlane v3, v0;
	_ =	sdelay $0x1  }
0x5e: {  	v3 =	vadd.s32 v1, v3;
	_ =	sdelay $0x3  }
0x5f: {  	s10 =	simm.s32 $0xC800  }
0x60: {  	[tilespmem:s10], [sflag:$0x1] =	stream.indirect_vreg.gather [hbm4b:s1+s3], $0x80, v3, vm0, $0xb8;
	[tilespmem:$0x1C800] =	vst v63  }
0x61: {  	s11 =	simm.s32 $0xD000  }
0x62: {  	[tilespmem:s11], [sflag:$0x1] =	stream.indirect_vreg.gather [hbm4b:s5+s3], $0x80, v3, vm0, $0xb8;
	[tilespmem:$0x1C800] =	vst v63  }
0x63: {  	s15 =	simm.s32 $0xD800  }
0x64: {  	[tilespmem:s15], [sflag:$0x1] =	stream.indirect_vreg.gather [hbm4b:s6+s3], $0x80, v3, vm0, $0xb8;
	[tilespmem:$0x1C800] =	vst v63  }
0x65: {  	s17 =	simm.s32 $0xE000  }
0x66: {  	[tilespmem:s17], [sflag:$0x1] =	stream.indirect_vreg.gather [hbm4b:s7+s3], $0x80, v3, vm0, $0xb8;
	[tilespmem:$0x1C800] =	vst v63  }
0x67: {  	v3 =	vld [tilespmem:$0x80];
	_ =	sdelay $0x4  }
0x68: {  	v31 =	vshll.u32 v3, $0x3  }
0x69: {  	v3 =	vand.u32 $0x7, v3;
	v4 =	vand.u32 $0xFFFFFFC0, v31  }
0x6a: {  	v3 =	vor.u32 v3, v4  }
0x6b: {  	v4 =	vperm.xlane v3, v0;
	_ =	sdelay $0x1  }
0x6c: {  	v4 =	vadd.s32 v1, v4;
	_ =	sdelay $0x4  }
0x6d: {  	[tilespmem:s2], [sflag:$0x2] =	stream.indirect_vreg.gather [hbm4b:s1+s3], $0x80, v4, vm0, $0xb8;
	[tilespmem:$0x1C800] =	vst v63  }
0x6e: {  	s22 =	simm.s32 $0xF000;
	v3 =	vperm.xlane v3, v2  }
0x6f: {  	[tilespmem:s22], [sflag:$0x2] =	stream.indirect_vreg.gather [hbm4b:s5+s3], $0x80, v4, vm0, $0xb8;
	[tilespmem:$0x1C800] =	vst v63  }
0x70: {  	s23 =	simm.s32 $0xF800;
	v3 =	vadd.s32 v1, v3  }
0x71: {  	[tilespmem:s23], [sflag:$0x2] =	stream.indirect_vreg.gather [hbm4b:s6+s3], $0x80, v4, vm0, $0xb8;
	[tilespmem:$0x1C800] =	vst v63  }
0x72: {  	s26 =	simm.s32 $0x10000  }
0x73: {  	[tilespmem:s26], [sflag:$0x2] =	stream.indirect_vreg.gather [hbm4b:s7+s3], $0x80, v4, vm0, $0xb8;
	[tilespmem:$0x1C800] =	vst v63  }
0x74: {  	s28 =	simm.s32 $0x10800  }
0x75: {  	[tilespmem:s28], [sflag:$0x2] =	stream.indirect_vreg.gather [hbm4b:s1+s3], $0x80, v3, vm0, $0xb8;
	[tilespmem:$0x1C800] =	vst v63  }
0x76: {  	s29 =	simm.s32 $0x11000  }
0x77: {  	[tilespmem:s29], [sflag:$0x2] =	stream.indirect_vreg.gather [hbm4b:s5+s3], $0x80, v3, vm0, $0xb8;
	[tilespmem:$0x1C800] =	vst v63  }
0x78: {  	s31 =	simm.s32 $0x11800  }
0x79: {  	[tilespmem:s31], [sflag:$0x2] =	stream.indirect_vreg.gather [hbm4b:s6+s3], $0x80, v3, vm0, $0xb8;
	[tilespmem:$0x1C800] =	vst v63  }
0x7a: {  	s10 =	simm.s32 $0x12000  }
0x7b: {  	[tilespmem:s10], [sflag:$0x2] =	stream.indirect_vreg.gather [hbm4b:s7+s3], $0x80, v3, vm0, $0xb8;
	[tilespmem:$0x1C800] =	vst v63  }
0x7c: {  	v3 =	vld [tilespmem:$0x90];
	_ =	sdelay $0x4  }
0x7d: {  	v32 =	vshll.u32 v3, $0x3  }
0x7e: {  	v3 =	vand.u32 $0x7, v3;
	v4 =	vand.u32 $0xFFFFFFC0, v32  }
0x7f: {  	v3 =	vor.u32 v3, v4  }
0x80: {  	v4 =	vperm.xlane v3, v0;
	_ =	sdelay $0x1  }
0x81: {  	v4 =	vadd.s32 v1, v4;
	_ =	sdelay $0x3  }
0x82: {  	s11 =	simm.s32 $0x12800  }
0x83: {  	[tilespmem:s11], [sflag:$0x2] =	stream.indirect_vreg.gather [hbm4b:s1+s3], $0x80, v4, vm0, $0xb8;
	[tilespmem:$0x1C800] =	vst v63  }
0x84: {  	s15 =	simm.s32 $0x13000;
	v3 =	vperm.xlane v3, v2  }
0x85: {  	[tilespmem:s15], [sflag:$0x2] =	stream.indirect_vreg.gather [hbm4b:s5+s3], $0x80, v4, vm0, $0xb8;
	[tilespmem:$0x1C800] =	vst v63  }
0x86: {  	s17 =	simm.s32 $0x13800;
	v3 =	vadd.s32 v1, v3  }
0x87: {  	[tilespmem:s17], [sflag:$0x2] =	stream.indirect_vreg.gather [hbm4b:s6+s3], $0x80, v4, vm0, $0xb8;
	[tilespmem:$0x1C800] =	vst v63  }
0x88: {  	s22 =	simm.s32 $0x14000  }
0x89: {  	[tilespmem:s22], [sflag:$0x2] =	stream.indirect_vreg.gather [hbm4b:s7+s3], $0x80, v4, vm0, $0xb8;
	[tilespmem:$0x1C800] =	vst v63  }
0x8a: {  	s23 =	simm.s32 $0x14800  }
0x8b: {  	[tilespmem:s23], [sflag:$0x2] =	stream.indirect_vreg.gather [hbm4b:s1+s3], $0x80, v3, vm0, $0xb8;
	[tilespmem:$0x1C800] =	vst v63  }
0x8c: {  	s26 =	simm.s32 $0x15000  }
0x8d: {  	[tilespmem:s26], [sflag:$0x2] =	stream.indirect_vreg.gather [hbm4b:s5+s3], $0x80, v3, vm0, $0xb8;
	[tilespmem:$0x1C800] =	vst v63  }
0x8e: {  	s28 =	simm.s32 $0x15800  }
0x8f: {  	[tilespmem:s28], [sflag:$0x2] =	stream.indirect_vreg.gather [hbm4b:s6+s3], $0x80, v3, vm0, $0xb8;
	[tilespmem:$0x1C800] =	vst v63  }
0x90: {  	s29 =	simm.s32 $0x16000  }
0x91: {  	[tilespmem:s29], [sflag:$0x2] =	stream.indirect_vreg.gather [hbm4b:s7+s3], $0x80, v3, vm0, $0xb8;
	[tilespmem:$0x1C800] =	vst v63  }
0x92: {  	v3 =	vld [tilespmem:$0xA0];
	_ =	sdelay $0x4  }
0x93: {  	v33 =	vshll.u32 v3, $0x3  }
0x94: {  	v3 =	vand.u32 $0x7, v3;
	v4 =	vand.u32 $0xFFFFFFC0, v33  }
0x95: {  	v3 =	vor.u32 v3, v4  }
0x96: {  	v4 =	vperm.xlane v3, v0;
	_ =	sdelay $0x1  }
0x97: {  	v4 =	vadd.s32 v1, v4;
	_ =	sdelay $0x3  }
0x98: {  	s31 =	simm.s32 $0x16800  }
0x99: {  	[tilespmem:s31], [sflag:$0x2] =	stream.indirect_vreg.gather [hbm4b:s1+s3], $0x80, v4, vm0, $0xb8;
	[tilespmem:$0x1C800] =	vst v63  }
0x9a: {  	s10 =	simm.s32 $0x17000;
	v3 =	vperm.xlane v3, v2  }
0x9b: {  	[tilespmem:s10], [sflag:$0x2] =	stream.indirect_vreg.gather [hbm4b:s5+s3], $0x80, v4, vm0, $0xb8;
	[tilespmem:$0x1C800] =	vst v63  }
0x9c: {  	s11 =	simm.s32 $0x17800;
	v3 =	vadd.s32 v1, v3  }
0x9d: {  	[tilespmem:s11], [sflag:$0x2] =	stream.indirect_vreg.gather [hbm4b:s6+s3], $0x80, v4, vm0, $0xb8;
	[tilespmem:$0x1C800] =	vst v63  }
0x9e: {  	s15 =	simm.s32 $0x18000  }
0x9f: {  	[tilespmem:s15], [sflag:$0x2] =	stream.indirect_vreg.gather [hbm4b:s7+s3], $0x80, v4, vm0, $0xb8;
	[tilespmem:$0x1C800] =	vst v63  }
0xa0: {  	s17 =	simm.s32 $0x18800  }
0xa1: {  	[tilespmem:s17], [sflag:$0x2] =	stream.indirect_vreg.gather [hbm4b:s1+s3], $0x80, v3, vm0, $0xb8;
	[tilespmem:$0x1C800] =	vst v63  }
0xa2: {  	s22 =	simm.s32 $0x19000  }
0xa3: {  	[tilespmem:s22], [sflag:$0x2] =	stream.indirect_vreg.gather [hbm4b:s5+s3], $0x80, v3, vm0, $0xb8;
	[tilespmem:$0x1C800] =	vst v63  }
0xa4: {  	s23 =	simm.s32 $0x19800  }
0xa5: {  	[tilespmem:s23], [sflag:$0x2] =	stream.indirect_vreg.gather [hbm4b:s6+s3], $0x80, v3, vm0, $0xb8;
	[tilespmem:$0x1C800] =	vst v63  }
0xa6: {  	s26 =	simm.s32 $0x1A000  }
0xa7: {  	[tilespmem:s26], [sflag:$0x2] =	stream.indirect_vreg.gather [hbm4b:s7+s3], $0x80, v3, vm0, $0xb8;
	[tilespmem:$0x1C800] =	vst v63  }
0xa8: {  	v3 =	vld.msk [tilespmem:$0xB0], $0xff;
	_ =	sdelay $0x4  }
0xa9: {  	v34 =	vshll.u32 v3, $0x3  }
0xaa: {  	v3 =	vand.u32 $0x7, v3;
	v4 =	vand.u32 $0xFFFFFFC0, v34  }
0xab: {  	v3 =	vor.u32 v3, v4  }
0xac: {  	v3 =	vperm.xlane v3, v0;
	_ =	sdelay $0x1  }
0xad: {  	v3 =	vadd.s32 v1, v3;
	_ =	sdelay $0x3  }
0xae: {  	s28 =	simm.s32 $0x1A800  }
0xaf: {  	[tilespmem:s28], [sflag:$0x2] =	stream.indirect_vreg.gather [hbm4b:s1+s3], $0x80, v3, vm0, $0xb8;
	[tilespmem:$0x1C800] =	vst v63  }
0xb0: {  	s29 =	simm.s32 $0x1B000  }
0xb1: {  	[tilespmem:s29], [sflag:$0x2] =	stream.indirect_vreg.gather [hbm4b:s5+s3], $0x80, v3, vm0, $0xb8;
	[tilespmem:$0x1C800] =	vst v63  }
0xb2: {  	s31 =	simm.s32 $0x1B800  }
0xb3: {  	[tilespmem:s31], [sflag:$0x2] =	stream.indirect_vreg.gather [hbm4b:s6+s3], $0x80, v3, vm0, $0xb8;
	[tilespmem:$0x1C800] =	vst v63  }
0xb4: {  	s10 =	simm.s32 $0x1C000  }
0xb5: {  	[tilespmem:s10], [sflag:$0x2] =	stream.indirect_vreg.gather [hbm4b:s7+s3], $0x80, v3, vm0, $0xb8;
	[tilespmem:$0x1C800] =	vst v63  }
0xb6: {  	_ =	swait.ge [sflag:s18], $0xE000  }
0xb7: {  	[sflag:s18] =	ssyncset.done $0x0  }
0xb8: {  	s15 =	simm.s32 $0x800;
	s11 =	rddreg [dreg:$0xe];
	[sflag:s18] =	ssyncadd.s32 $0xFFFF2000  }
0xb9: {  	[hbm4b:s11+s3] =	stream.linear.scatter [tilespmem:s15], [sflag:$0x3], $0xE000, $0x38;
	[tilespmem:$0x1C800] =	vst v63  }
0xba: {  	_ =	swait.ge [sflag:s19], $0xE000  }
0xbb: {  	[sflag:s19] =	ssyncset.done $0x0  }
0xbc: {  	[sflag:s19] =	ssyncadd.s32 $0xFFFF2000  }
0xbd: {  	v3 =	vld [tilespmem:$0x100];
	_ =	sdelay $0x4  }
0xbe: {  	v35 =	vshll.u32 v3, $0x3  }
0xbf: {  	v3 =	vand.u32 $0x7, v3;
	v4 =	vand.u32 $0xFFFFFFC0, v35  }
0xc0: {  	v3 =	vor.u32 v3, v4  }
0xc1: {  	v4 =	vperm.xlane v3, v0;
	_ =	sdelay $0x1  }
0xc2: {  	v4 =	vadd.s32 v1, v4;
	_ =	sdelay $0x4  }
0xc3: {  	[tilespmem:s15], [sflag:$0x1] =	stream.indirect_vreg.gather [hbm4b:s1+s3], $0x80, v4, vm0, $0xb8;
	[tilespmem:$0x1C800] =	vst v63  }
0xc4: {  	s9 =	simm.s32 $0x1000;
	v3 =	vperm.xlane v3, v2  }
0xc5: {  	[tilespmem:s9], [sflag:$0x1] =	stream.indirect_vreg.gather [hbm4b:s5+s3], $0x80, v4, vm0, $0xb8;
	[tilespmem:$0x1C800] =	vst v63  }
0xc6: {  	s4 =	simm.s32 $0x1800;
	v3 =	vadd.s32 v1, v3  }
0xc7: {  	[tilespmem:s4], [sflag:$0x1] =	stream.indirect_vreg.gather [hbm4b:s6+s3], $0x80, v4, vm0, $0xb8;
	[tilespmem:$0x1C800] =	vst v63  }
0xc8: {  	s10 =	simm.s32 $0x2000  }
0xc9: {  	[tilespmem:s10], [sflag:$0x1] =	stream.indirect_vreg.gather [hbm4b:s7+s3], $0x80, v4, vm0, $0xb8;
	[tilespmem:$0x1C800] =	vst v63  }
0xca: {  	s17 =	simm.s32 $0x2800  }
0xcb: {  	[tilespmem:s17], [sflag:$0x1] =	stream.indirect_vreg.gather [hbm4b:s1+s3], $0x80, v3, vm0, $0xb8;
	[tilespmem:$0x1C800] =	vst v63  }
0xcc: {  	s9 =	simm.s32 $0x3000  }
0xcd: {  	[tilespmem:s9], [sflag:$0x1] =	stream.indirect_vreg.gather [hbm4b:s5+s3], $0x80, v3, vm0, $0xb8;
	[tilespmem:$0x1C800] =	vst v63  }
0xce: {  	s11 =	simm.s32 $0x3800  }
0xcf: {  	[tilespmem:s11], [sflag:$0x1] =	stream.indirect_vreg.gather [hbm4b:s6+s3], $0x80, v3, vm0, $0xb8;
	[tilespmem:$0x1C800] =	vst v63  }
0xd0: {  	s12 =	simm.s32 $0x4000  }
0xd1: {  	[tilespmem:s12], [sflag:$0x1] =	stream.indirect_vreg.gather [hbm4b:s7+s3], $0x80, v3, vm0, $0xb8;
	[tilespmem:$0x1C800] =	vst v63  }
0xd2: {  	v3 =	vld [tilespmem:$0x110];
	_ =	sdelay $0x4  }
0xd3: {  	v36 =	vshll.u32 v3, $0x3  }
0xd4: {  	v3 =	vand.u32 $0x7, v3;
	v4 =	vand.u32 $0xFFFFFFC0, v36  }
0xd5: {  	v3 =	vor.u32 v3, v4  }
0xd6: {  	v4 =	vperm.xlane v3, v0;
	_ =	sdelay $0x1  }
0xd7: {  	v4 =	vadd.s32 v1, v4;
	_ =	sdelay $0x3  }
0xd8: {  	s13 =	simm.s32 $0x4800  }
0xd9: {  	[tilespmem:s13], [sflag:$0x1] =	stream.indirect_vreg.gather [hbm4b:s1+s3], $0x80, v4, vm0, $0xb8;
	[tilespmem:$0x1C800] =	vst v63  }
0xda: {  	s14 =	simm.s32 $0x5000;
	v3 =	vperm.xlane v3, v2  }
0xdb: {  	[tilespmem:s14], [sflag:$0x1] =	stream.indirect_vreg.gather [hbm4b:s5+s3], $0x80, v4, vm0, $0xb8;
	[tilespmem:$0x1C800] =	vst v63  }
0xdc: {  	s12 =	simm.s32 $0x5800;
	v3 =	vadd.s32 v1, v3  }
0xdd: {  	[tilespmem:s12], [sflag:$0x1] =	stream.indirect_vreg.gather [hbm4b:s6+s3], $0x80, v4, vm0, $0xb8;
	[tilespmem:$0x1C800] =	vst v63  }
0xde: {  	s13 =	simm.s32 $0x6000  }
0xdf: {  	[tilespmem:s13], [sflag:$0x1] =	stream.indirect_vreg.gather [hbm4b:s7+s3], $0x80, v4, vm0, $0xb8;
	[tilespmem:$0x1C800] =	vst v63  }
0xe0: {  	s15 =	simm.s32 $0x6800  }
0xe1: {  	[tilespmem:s15], [sflag:$0x1] =	stream.indirect_vreg.gather [hbm4b:s1+s3], $0x80, v3, vm0, $0xb8;
	[tilespmem:$0x1C800] =	vst v63  }
0xe2: {  	s17 =	simm.s32 $0x7000  }
0xe3: {  	[tilespmem:s17], [sflag:$0x1] =	stream.indirect_vreg.gather [hbm4b:s5+s3], $0x80, v3, vm0, $0xb8;
	[tilespmem:$0x1C800] =	vst v63  }
0xe4: {  	s23 =	simm.s32 $0x7800  }
0xe5: {  	[tilespmem:s23], [sflag:$0x1] =	stream.indirect_vreg.gather [hbm4b:s6+s3], $0x80, v3, vm0, $0xb8;
	[tilespmem:$0x1C800] =	vst v63  }
0xe6: {  	s16 =	simm.s32 $0x8000  }
0xe7: {  	[tilespmem:s16], [sflag:$0x1] =	stream.indirect_vreg.gather [hbm4b:s7+s3], $0x80, v3, vm0, $0xb8;
	[tilespmem:$0x1C800] =	vst v63  }
0xe8: {  	v3 =	vld [tilespmem:$0x120];
	_ =	sdelay $0x4  }
0xe9: {  	v37 =	vshll.u32 v3, $0x3  }
0xea: {  	v3 =	vand.u32 $0x7, v3;
	v4 =	vand.u32 $0xFFFFFFC0, v37  }
0xeb: {  	v3 =	vor.u32 v3, v4  }
0xec: {  	v4 =	vperm.xlane v3, v0;
	_ =	sdelay $0x1  }
0xed: {  	v4 =	vadd.s32 v1, v4;
	_ =	sdelay $0x3  }
0xee: {  	s24 =	simm.s32 $0x8800  }
0xef: {  	[tilespmem:s24], [sflag:$0x1] =	stream.indirect_vreg.gather [hbm4b:s1+s3], $0x80, v4, vm0, $0xb8;
	[tilespmem:$0x1C800] =	vst v63  }
0xf0: {  	s25 =	simm.s32 $0x9000;
	v3 =	vperm.xlane v3, v2  }
0xf1: {  	[tilespmem:s25], [sflag:$0x1] =	stream.indirect_vreg.gather [hbm4b:s5+s3], $0x80, v4, vm0, $0xb8;
	[tilespmem:$0x1C800] =	vst v63  }
0xf2: {  	v3 =	vadd.s32 v1, v3;
	s24 =	simm.s32 $0x9800  }
0xf3: {  	[tilespmem:s24], [sflag:$0x1] =	stream.indirect_vreg.gather [hbm4b:s6+s3], $0x80, v4, vm0, $0xb8;
	[tilespmem:$0x1C800] =	vst v63  }
0xf4: {  	s25 =	simm.s32 $0xA000  }
0xf5: {  	[tilespmem:s25], [sflag:$0x1] =	stream.indirect_vreg.gather [hbm4b:s7+s3], $0x80, v4, vm0, $0xb8;
	[tilespmem:$0x1C800] =	vst v63  }
0xf6: {  	s26 =	simm.s32 $0xA800  }
0xf7: {  	[tilespmem:s26], [sflag:$0x1] =	stream.indirect_vreg.gather [hbm4b:s1+s3], $0x80, v3, vm0, $0xb8;
	[tilespmem:$0x1C800] =	vst v63  }
0xf8: {  	s28 =	simm.s32 $0xB000  }
0xf9: {  	[tilespmem:s28], [sflag:$0x1] =	stream.indirect_vreg.gather [hbm4b:s5+s3], $0x80, v3, vm0, $0xb8;
	[tilespmem:$0x1C800] =	vst v63  }
0xfa: {  	s29 =	simm.s32 $0xB800  }
0xfb: {  	[tilespmem:s29], [sflag:$0x1] =	stream.indirect_vreg.gather [hbm4b:s6+s3], $0x80, v3, vm0, $0xb8;
	[tilespmem:$0x1C800] =	vst v63  }
0xfc: {  	s30 =	simm.s32 $0xC000  }
0xfd: {  	[tilespmem:s30], [sflag:$0x1] =	stream.indirect_vreg.gather [hbm4b:s7+s3], $0x80, v3, vm0, $0xb8;
	[tilespmem:$0x1C800] =	vst v63  }
0xfe: {  	v3 =	vld.msk [tilespmem:$0x130], $0xff;
	_ =	sdelay $0x4  }
0xff: {  	v38 =	vshll.u32 v3, $0x3  }
0x100: {  	v3 =	vand.u32 $0x7, v3;
	v4 =	vand.u32 $0xFFFFFFC0, v38  }
0x101: {  	v3 =	vor.u32 v3, v4  }
0x102: {  	v3 =	vperm.xlane v3, v0;
	_ =	sdelay $0x1  }
0x103: {  	v3 =	vadd.s32 v1, v3;
	_ =	sdelay $0x3  }
0x104: {  	s30 =	simm.s32 $0xC800  }
0x105: {  	[tilespmem:s30], [sflag:$0x1] =	stream.indirect_vreg.gather [hbm4b:s1+s3], $0x80, v3, vm0, $0xb8;
	[tilespmem:$0x1C800] =	vst v63  }
0x106: {  	s31 =	simm.s32 $0xD000  }
0x107: {  	[tilespmem:s31], [sflag:$0x1] =	stream.indirect_vreg.gather [hbm4b:s5+s3], $0x80, v3, vm0, $0xb8;
	[tilespmem:$0x1C800] =	vst v63  }
0x108: {  	s16 =	simm.s32 $0xD800  }
0x109: {  	[tilespmem:s16], [sflag:$0x1] =	stream.indirect_vreg.gather [hbm4b:s6+s3], $0x80, v3, vm0, $0xb8;
	[tilespmem:$0x1C800] =	vst v63  }
0x10a: {  	s22 =	simm.s32 $0xE000  }
0x10b: {  	[tilespmem:s22], [sflag:$0x1] =	stream.indirect_vreg.gather [hbm4b:s7+s3], $0x80, v3, vm0, $0xb8;
	[tilespmem:$0x1C800] =	vst v63  }
0x10c: {  	_ =	swait.ge [sflag:s20], $0xE000  }
0x10d: {  	[sflag:s20] =	ssyncset.done $0x0  }
0x10e: {  	s4 =	rddreg [dreg:$0x5];
	[sflag:s20] =	ssyncadd.s32 $0xFFFF2000  }
0x10f: {  	[hbm4b:s4+s3] =	stream.linear.scatter [tilespmem:s2], [sflag:$0x4], $0xE000, $0x38;
	[tilespmem:$0x1C800] =	vst v63  }
0x110: {  	_ =	swait.ge [sflag:s21], $0xE000  }
0x111: {  	[sflag:s21] =	ssyncset.done $0x0  }
0x112: {  	[sflag:s21] =	ssyncadd.s32 $0xFFFF2000  }
0x113: {  	v3 =	vld [tilespmem:$0x180];
	_ =	sdelay $0x4  }
0x114: {  	v39 =	vshll.u32 v3, $0x3  }
0x115: {  	v3 =	vand.u32 $0x7, v3;
	v4 =	vand.u32 $0xFFFFFFC0, v39  }
0x116: {  	v3 =	vor.u32 v3, v4  }
0x117: {  	v4 =	vperm.xlane v3, v0;
	_ =	sdelay $0x1  }
0x118: {  	v4 =	vadd.s32 v1, v4;
	_ =	sdelay $0x4  }
0x119: {  	[tilespmem:s2], [sflag:$0x2] =	stream.indirect_vreg.gather [hbm4b:s1+s3], $0x80, v4, vm0, $0xb8;
	[tilespmem:$0x1C800] =	vst v63  }
0x11a: {  	s14 =	simm.s32 $0xF000;
	v3 =	vperm.xlane v3, v2  }
0x11b: {  	[tilespmem:s14], [sflag:$0x2] =	stream.indirect_vreg.gather [hbm4b:s5+s3], $0x80, v4, vm0, $0xb8;
	[tilespmem:$0x1C800] =	vst v63  }
0x11c: {  	v3 =	vadd.s32 v1, v3;
	s14 =	simm.s32 $0xF800  }
0x11d: {  	[tilespmem:s14], [sflag:$0x2] =	stream.indirect_vreg.gather [hbm4b:s6+s3], $0x80, v4, vm0, $0xb8;
	[tilespmem:$0x1C800] =	vst v63  }
0x11e: {  	s22 =	simm.s32 $0x10000  }
0x11f: {  	[tilespmem:s22], [sflag:$0x2] =	stream.indirect_vreg.gather [hbm4b:s7+s3], $0x80, v4, vm0, $0xb8;
	[tilespmem:$0x1C800] =	vst v63  }
0x120: {  	s4 =	simm.s32 $0x10800  }
0x121: {  	[tilespmem:s4], [sflag:$0x2] =	stream.indirect_vreg.gather [hbm4b:s1+s3], $0x80, v3, vm0, $0xb8;
	[tilespmem:$0x1C800] =	vst v63  }
0x122: {  	s22 =	simm.s32 $0x11000  }
0x123: {  	[tilespmem:s22], [sflag:$0x2] =	stream.indirect_vreg.gather [hbm4b:s5+s3], $0x80, v3, vm0, $0xb8;
	[tilespmem:$0x1C800] =	vst v63  }
0x124: {  	s22 =	simm.s32 $0x11800  }
0x125: {  	[tilespmem:s22], [sflag:$0x2] =	stream.indirect_vreg.gather [hbm4b:s6+s3], $0x80, v3, vm0, $0xb8;
	[tilespmem:$0x1C800] =	vst v63  }
0x126: {  	s22 =	simm.s32 $0x12000  }
0x127: {  	[tilespmem:s22], [sflag:$0x2] =	stream.indirect_vreg.gather [hbm4b:s7+s3], $0x80, v3, vm0, $0xb8;
	[tilespmem:$0x1C800] =	vst v63  }
0x128: {  	v3 =	vld [tilespmem:$0x190];
	_ =	sdelay $0x4  }
0x129: {  	v40 =	vshll.u32 v3, $0x3  }
0x12a: {  	v3 =	vand.u32 $0x7, v3;
	v4 =	vand.u32 $0xFFFFFFC0, v40  }
0x12b: {  	v3 =	vor.u32 v3, v4  }
0x12c: {  	v4 =	vperm.xlane v3, v0;
	_ =	sdelay $0x1  }
0x12d: {  	v4 =	vadd.s32 v1, v4;
	_ =	sdelay $0x3  }
0x12e: {  	s22 =	simm.s32 $0x12800  }
0x12f: {  	[tilespmem:s22], [sflag:$0x2] =	stream.indirect_vreg.gather [hbm4b:s1+s3], $0x80, v4, vm0, $0xb8;
	[tilespmem:$0x1C800] =	vst v63  }
0x130: {  	v3 =	vperm.xlane v3, v2;
	s22 =	simm.s32 $0x13000  }
0x131: {  	[tilespmem:s22], [sflag:$0x2] =	stream.indirect_vreg.gather [hbm4b:s5+s3], $0x80, v4, vm0, $0xb8;
	[tilespmem:$0x1C800] =	vst v63  }
0x132: {  	v3 =	vadd.s32 v1, v3;
	s22 =	simm.s32 $0x13800  }
0x133: {  	[tilespmem:s22], [sflag:$0x2] =	stream.indirect_vreg.gather [hbm4b:s6+s3], $0x80, v4, vm0, $0xb8;
	[tilespmem:$0x1C800] =	vst v63  }
0x134: {  	s22 =	simm.s32 $0x14000  }
0x135: {  	[tilespmem:s22], [sflag:$0x2] =	stream.indirect_vreg.gather [hbm4b:s7+s3], $0x80, v4, vm0, $0xb8;
	[tilespmem:$0x1C800] =	vst v63  }
0x136: {  	s22 =	simm.s32 $0x14800  }
0x137: {  	[tilespmem:s22], [sflag:$0x2] =	stream.indirect_vreg.gather [hbm4b:s1+s3], $0x80, v3, vm0, $0xb8;
	[tilespmem:$0x1C800] =	vst v63  }
0x138: {  	s22 =	simm.s32 $0x15000  }
0x139: {  	[tilespmem:s22], [sflag:$0x2] =	stream.indirect_vreg.gather [hbm4b:s5+s3], $0x80, v3, vm0, $0xb8;
	[tilespmem:$0x1C800] =	vst v63  }
0x13a: {  	s22 =	simm.s32 $0x15800  }
0x13b: {  	[tilespmem:s22], [sflag:$0x2] =	stream.indirect_vreg.gather [hbm4b:s6+s3], $0x80, v3, vm0, $0xb8;
	[tilespmem:$0x1C800] =	vst v63  }
0x13c: {  	s22 =	simm.s32 $0x16000  }
0x13d: {  	[tilespmem:s22], [sflag:$0x2] =	stream.indirect_vreg.gather [hbm4b:s7+s3], $0x80, v3, vm0, $0xb8;
	[tilespmem:$0x1C800] =	vst v63  }
0x13e: {  	v3 =	vld [tilespmem:$0x1A0];
	_ =	sdelay $0x4  }
0x13f: {  	v41 =	vshll.u32 v3, $0x3  }
0x140: {  	v3 =	vand.u32 $0x7, v3;
	v4 =	vand.u32 $0xFFFFFFC0, v41  }
0x141: {  	v3 =	vor.u32 v3, v4  }
0x142: {  	v4 =	vperm.xlane v3, v0;
	_ =	sdelay $0x1  }
0x143: {  	v4 =	vadd.s32 v1, v4;
	_ =	sdelay $0x3  }
0x144: {  	s22 =	simm.s32 $0x16800  }
0x145: {  	[tilespmem:s22], [sflag:$0x2] =	stream.indirect_vreg.gather [hbm4b:s1+s3], $0x80, v4, vm0, $0xb8;
	[tilespmem:$0x1C800] =	vst v63  }
0x146: {  	v3 =	vperm.xlane v3, v2;
	s22 =	simm.s32 $0x17000  }
0x147: {  	[tilespmem:s22], [sflag:$0x2] =	stream.indirect_vreg.gather [hbm4b:s5+s3], $0x80, v4, vm0, $0xb8;
	[tilespmem:$0x1C800] =	vst v63  }
0x148: {  	v3 =	vadd.s32 v1, v3;
	s22 =	simm.s32 $0x17800  }
0x149: {  	[tilespmem:s22], [sflag:$0x2] =	stream.indirect_vreg.gather [hbm4b:s6+s3], $0x80, v4, vm0, $0xb8;
	[tilespmem:$0x1C800] =	vst v63  }
0x14a: {  	s22 =	simm.s32 $0x18000  }
0x14b: {  	[tilespmem:s22], [sflag:$0x2] =	stream.indirect_vreg.gather [hbm4b:s7+s3], $0x80, v4, vm0, $0xb8;
	[tilespmem:$0x1C800] =	vst v63  }
0x14c: {  	s22 =	simm.s32 $0x18800  }
0x14d: {  	[tilespmem:s22], [sflag:$0x2] =	stream.indirect_vreg.gather [hbm4b:s1+s3], $0x80, v3, vm0, $0xb8;
	[tilespmem:$0x1C800] =	vst v63  }
0x14e: {  	s22 =	simm.s32 $0x19000  }
0x14f: {  	[tilespmem:s22], [sflag:$0x2] =	stream.indirect_vreg.gather [hbm4b:s5+s3], $0x80, v3, vm0, $0xb8;
	[tilespmem:$0x1C800] =	vst v63  }
0x150: {  	s22 =	simm.s32 $0x19800  }
0x151: {  	[tilespmem:s22], [sflag:$0x2] =	stream.indirect_vreg.gather [hbm4b:s6+s3], $0x80, v3, vm0, $0xb8;
	[tilespmem:$0x1C800] =	vst v63  }
0x152: {  	s22 =	simm.s32 $0x1A000  }
0x153: {  	[tilespmem:s22], [sflag:$0x2] =	stream.indirect_vreg.gather [hbm4b:s7+s3], $0x80, v3, vm0, $0xb8;
	[tilespmem:$0x1C800] =	vst v63  }
0x154: {  	v3 =	vld.msk [tilespmem:$0x1B0], $0xff;
	_ =	sdelay $0x4  }
0x155: {  	v42 =	vshll.u32 v3, $0x3  }
0x156: {  	v3 =	vand.u32 $0x7, v3;
	v4 =	vand.u32 $0xFFFFFFC0, v42  }
0x157: {  	v3 =	vor.u32 v3, v4  }
0x158: {  	v3 =	vperm.xlane v3, v0;
	_ =	sdelay $0x1  }
0x159: {  	v3 =	vadd.s32 v1, v3;
	_ =	sdelay $0x3  }
0x15a: {  	s22 =	simm.s32 $0x1A800  }
0x15b: {  	[tilespmem:s22], [sflag:$0x2] =	stream.indirect_vreg.gather [hbm4b:s1+s3], $0x80, v3, vm0, $0xb8;
	[tilespmem:$0x1C800] =	vst v63  }
0x15c: {  	s22 =	simm.s32 $0x1B000  }
0x15d: {  	[tilespmem:s22], [sflag:$0x2] =	stream.indirect_vreg.gather [hbm4b:s5+s3], $0x80, v3, vm0, $0xb8;
	[tilespmem:$0x1C800] =	vst v63  }
0x15e: {  	s22 =	simm.s32 $0x1B800  }
0x15f: {  	[tilespmem:s22], [sflag:$0x2] =	stream.indirect_vreg.gather [hbm4b:s6+s3], $0x80, v3, vm0, $0xb8;
	[tilespmem:$0x1C800] =	vst v63  }
0x160: {  	s22 =	simm.s32 $0x1C000  }
0x161: {  	[tilespmem:s22], [sflag:$0x2] =	stream.indirect_vreg.gather [hbm4b:s7+s3], $0x80, v3, vm0, $0xb8;
	[tilespmem:$0x1C800] =	vst v63  }
0x162: {  	_ =	swait.ge [sflag:s18], $0xE000  }
0x163: {  	[sflag:s18] =	ssyncset.done $0x0  }
0x164: {  	s0 =	simm.s32 $0x800;
	s22 =	rddreg [dreg:$0x6];
	[sflag:s18] =	ssyncadd.s32 $0xFFFF2000  }
0x165: {  	[hbm4b:s22+s3] =	stream.linear.scatter [tilespmem:s0], [sflag:$0x3], $0xE000, $0x38;
	[tilespmem:$0x1C800] =	vst v63  }
0x166: {  	_ =	swait.ge [sflag:s19], $0xE000  }
0x167: {  	[sflag:s19] =	ssyncset.done $0x0  }
0x168: {  	[sflag:s19] =	ssyncadd.s32 $0xFFFF2000  }
0x169: {  	v3 =	vld [tilespmem:$0x200];
	_ =	sdelay $0x4  }
0x16a: {  	v43 =	vshll.u32 v3, $0x3  }
0x16b: {  	v3 =	vand.u32 $0x7, v3;
	v4 =	vand.u32 $0xFFFFFFC0, v43  }
0x16c: {  	v3 =	vor.u32 v3, v4  }
0x16d: {  	v4 =	vperm.xlane v3, v0;
	_ =	sdelay $0x1  }
0x16e: {  	v4 =	vadd.s32 v1, v4;
	_ =	sdelay $0x4  }
0x16f: {  	[tilespmem:s0], [sflag:$0x1] =	stream.indirect_vreg.gather [hbm4b:s1+s3], $0x80, v4, vm0, $0xb8;
	[tilespmem:$0x1C800] =	vst v63  }
0x170: {  	s22 =	simm.s32 $0x1000;
	v3 =	vperm.xlane v3, v2  }
0x171: {  	[tilespmem:s22], [sflag:$0x1] =	stream.indirect_vreg.gather [hbm4b:s5+s3], $0x80, v4, vm0, $0xb8;
	[tilespmem:$0x1C800] =	vst v63  }
0x172: {  	v3 =	vadd.s32 v1, v3;
	s22 =	simm.s32 $0x1800  }
0x173: {  	[tilespmem:s22], [sflag:$0x1] =	stream.indirect_vreg.gather [hbm4b:s6+s3], $0x80, v4, vm0, $0xb8;
	[tilespmem:$0x1C800] =	vst v63  }
0x174: {  	_ = 	snop  }
0x175: {  	[tilespmem:s10], [sflag:$0x1] =	stream.indirect_vreg.gather [hbm4b:s7+s3], $0x80, v4, vm0, $0xb8;
	[tilespmem:$0x1C800] =	vst v63  }
0x176: {  	s22 =	simm.s32 $0x2800  }
0x177: {  	[tilespmem:s22], [sflag:$0x1] =	stream.indirect_vreg.gather [hbm4b:s1+s3], $0x80, v3, vm0, $0xb8;
	[tilespmem:$0x1C800] =	vst v63  }
0x178: {  	_ = 	snop  }
0x179: {  	[tilespmem:s9], [sflag:$0x1] =	stream.indirect_vreg.gather [hbm4b:s5+s3], $0x80, v3, vm0, $0xb8;
	[tilespmem:$0x1C800] =	vst v63  }
0x17a: {  	_ = 	snop  }
0x17b: {  	[tilespmem:s11], [sflag:$0x1] =	stream.indirect_vreg.gather [hbm4b:s6+s3], $0x80, v3, vm0, $0xb8;
	[tilespmem:$0x1C800] =	vst v63  }
0x17c: {  	s9 =	simm.s32 $0x4000  }
0x17d: {  	[tilespmem:s9], [sflag:$0x1] =	stream.indirect_vreg.gather [hbm4b:s7+s3], $0x80, v3, vm0, $0xb8;
	[tilespmem:$0x1C800] =	vst v63  }
0x17e: {  	v3 =	vld [tilespmem:$0x210];
	_ =	sdelay $0x4  }
0x17f: {  	v44 =	vshll.u32 v3, $0x3  }
0x180: {  	v3 =	vand.u32 $0x7, v3;
	v4 =	vand.u32 $0xFFFFFFC0, v44  }
0x181: {  	v3 =	vor.u32 v3, v4  }
0x182: {  	v4 =	vperm.xlane v3, v0;
	_ =	sdelay $0x1  }
0x183: {  	v4 =	vadd.s32 v1, v4;
	_ =	sdelay $0x3  }
0x184: {  	s10 =	simm.s32 $0x4800  }
0x185: {  	[tilespmem:s10], [sflag:$0x1] =	stream.indirect_vreg.gather [hbm4b:s1+s3], $0x80, v4, vm0, $0xb8;
	[tilespmem:$0x1C800] =	vst v63  }
0x186: {  	s11 =	simm.s32 $0x5000;
	v3 =	vperm.xlane v3, v2  }
0x187: {  	[tilespmem:s11], [sflag:$0x1] =	stream.indirect_vreg.gather [hbm4b:s5+s3], $0x80, v4, vm0, $0xb8;
	[tilespmem:$0x1C800] =	vst v63  }
0x188: {  	v3 =	vadd.s32 v1, v3  }
0x189: {  	[tilespmem:s12], [sflag:$0x1] =	stream.indirect_vreg.gather [hbm4b:s6+s3], $0x80, v4, vm0, $0xb8;
	[tilespmem:$0x1C800] =	vst v63  }
0x18a: {  	_ = 	snop  }
0x18b: {  	[tilespmem:s13], [sflag:$0x1] =	stream.indirect_vreg.gather [hbm4b:s7+s3], $0x80, v4, vm0, $0xb8;
	[tilespmem:$0x1C800] =	vst v63  }
0x18c: {  	_ = 	snop  }
0x18d: {  	[tilespmem:s15], [sflag:$0x1] =	stream.indirect_vreg.gather [hbm4b:s1+s3], $0x80, v3, vm0, $0xb8;
	[tilespmem:$0x1C800] =	vst v63  }
0x18e: {  	_ = 	snop  }
0x18f: {  	[tilespmem:s17], [sflag:$0x1] =	stream.indirect_vreg.gather [hbm4b:s5+s3], $0x80, v3, vm0, $0xb8;
	[tilespmem:$0x1C800] =	vst v63  }
0x190: {  	_ = 	snop  }
0x191: {  	[tilespmem:s23], [sflag:$0x1] =	stream.indirect_vreg.gather [hbm4b:s6+s3], $0x80, v3, vm0, $0xb8;
	[tilespmem:$0x1C800] =	vst v63  }
0x192: {  	s13 =	simm.s32 $0x8000  }
0x193: {  	[tilespmem:s13], [sflag:$0x1] =	stream.indirect_vreg.gather [hbm4b:s7+s3], $0x80, v3, vm0, $0xb8;
	[tilespmem:$0x1C800] =	vst v63  }
0x194: {  	v3 =	vld [tilespmem:$0x220];
	_ =	sdelay $0x4  }
0x195: {  	v45 =	vshll.u32 v3, $0x3  }
0x196: {  	v3 =	vand.u32 $0x7, v3;
	v4 =	vand.u32 $0xFFFFFFC0, v45  }
0x197: {  	v3 =	vor.u32 v3, v4  }
0x198: {  	v4 =	vperm.xlane v3, v0;
	_ =	sdelay $0x1  }
0x199: {  	v4 =	vadd.s32 v1, v4;
	_ =	sdelay $0x3  }
0x19a: {  	s15 =	simm.s32 $0x8800  }
0x19b: {  	[tilespmem:s15], [sflag:$0x1] =	stream.indirect_vreg.gather [hbm4b:s1+s3], $0x80, v4, vm0, $0xb8;
	[tilespmem:$0x1C800] =	vst v63  }
0x19c: {  	s17 =	simm.s32 $0x9000;
	v3 =	vperm.xlane v3, v2  }
0x19d: {  	[tilespmem:s17], [sflag:$0x1] =	stream.indirect_vreg.gather [hbm4b:s5+s3], $0x80, v4, vm0, $0xb8;
	[tilespmem:$0x1C800] =	vst v63  }
0x19e: {  	v3 =	vadd.s32 v1, v3  }
0x19f: {  	[tilespmem:s24], [sflag:$0x1] =	stream.indirect_vreg.gather [hbm4b:s6+s3], $0x80, v4, vm0, $0xb8;
	[tilespmem:$0x1C800] =	vst v63  }
0x1a0: {  	_ = 	snop  }
0x1a1: {  	[tilespmem:s25], [sflag:$0x1] =	stream.indirect_vreg.gather [hbm4b:s7+s3], $0x80, v4, vm0, $0xb8;
	[tilespmem:$0x1C800] =	vst v63  }
0x1a2: {  	_ = 	snop  }
0x1a3: {  	[tilespmem:s26], [sflag:$0x1] =	stream.indirect_vreg.gather [hbm4b:s1+s3], $0x80, v3, vm0, $0xb8;
	[tilespmem:$0x1C800] =	vst v63  }
0x1a4: {  	_ = 	snop  }
0x1a5: {  	[tilespmem:s28], [sflag:$0x1] =	stream.indirect_vreg.gather [hbm4b:s5+s3], $0x80, v3, vm0, $0xb8;
	[tilespmem:$0x1C800] =	vst v63  }
0x1a6: {  	_ = 	snop  }
0x1a7: {  	[tilespmem:s29], [sflag:$0x1] =	stream.indirect_vreg.gather [hbm4b:s6+s3], $0x80, v3, vm0, $0xb8;
	[tilespmem:$0x1C800] =	vst v63  }
0x1a8: {  	s22 =	simm.s32 $0xC000  }
0x1a9: {  	[tilespmem:s22], [sflag:$0x1] =	stream.indirect_vreg.gather [hbm4b:s7+s3], $0x80, v3, vm0, $0xb8;
	[tilespmem:$0x1C800] =	vst v63  }
0x1aa: {  	v3 =	vld.msk [tilespmem:$0x230], $0xff;
	_ =	sdelay $0x4  }
0x1ab: {  	v46 =	vshll.u32 v3, $0x3  }
0x1ac: {  	v3 =	vand.u32 $0x7, v3;
	v4 =	vand.u32 $0xFFFFFFC0, v46  }
0x1ad: {  	v3 =	vor.u32 v3, v4  }
0x1ae: {  	v3 =	vperm.xlane v3, v0;
	_ =	sdelay $0x1  }
0x1af: {  	v3 =	vadd.s32 v1, v3;
	_ =	sdelay $0x4  }
0x1b0: {  	[tilespmem:s30], [sflag:$0x1] =	stream.indirect_vreg.gather [hbm4b:s1+s3], $0x80, v3, vm0, $0xb8;
	[tilespmem:$0x1C800] =	vst v63  }
0x1b1: {  	_ = 	snop  }
0x1b2: {  	[tilespmem:s31], [sflag:$0x1] =	stream.indirect_vreg.gather [hbm4b:s5+s3], $0x80, v3, vm0, $0xb8;
	[tilespmem:$0x1C800] =	vst v63  }
0x1b3: {  	_ = 	snop  }
0x1b4: {  	[tilespmem:s16], [sflag:$0x1] =	stream.indirect_vreg.gather [hbm4b:s6+s3], $0x80, v3, vm0, $0xb8;
	[tilespmem:$0x1C800] =	vst v63  }
0x1b5: {  	s23 =	simm.s32 $0xE000  }
0x1b6: {  	[tilespmem:s23], [sflag:$0x1] =	stream.indirect_vreg.gather [hbm4b:s7+s3], $0x80, v3, vm0, $0xb8;
	[tilespmem:$0x1C800] =	vst v63  }
0x1b7: {  	_ =	swait.ge [sflag:s20], $0xE000  }
0x1b8: {  	[sflag:s20] =	ssyncset.done $0x0  }
0x1b9: {  	s24 =	rddreg [dreg:$0x7];
	[sflag:s20] =	ssyncadd.s32 $0xFFFF2000  }
0x1ba: {  	[hbm4b:s24+s3] =	stream.linear.scatter [tilespmem:s2], [sflag:$0x4], $0xE000, $0x38;
	[tilespmem:$0x1C800] =	vst v63  }
0x1bb: {  	_ =	swait.ge [sflag:s21], $0xE000  }
0x1bc: {  	[sflag:s21] =	ssyncset.done $0x0  }
0x1bd: {  	[sflag:s21] =	ssyncadd.s32 $0xFFFF2000  }
0x1be: {  	v3 =	vld [tilespmem:$0x280];
	_ =	sdelay $0x4  }
0x1bf: {  	v47 =	vshll.u32 v3, $0x3  }
0x1c0: {  	v3 =	vand.u32 $0x7, v3;
	v4 =	vand.u32 $0xFFFFFFC0, v47  }
0x1c1: {  	v3 =	vor.u32 v3, v4  }
0x1c2: {  	v4 =	vperm.xlane v3, v0;
	_ =	sdelay $0x1  }
0x1c3: {  	v4 =	vadd.s32 v1, v4;
	_ =	sdelay $0x4  }
0x1c4: {  	[tilespmem:s2], [sflag:$0x2] =	stream.indirect_vreg.gather [hbm4b:s1+s3], $0x80, v4, vm0, $0xb8;
	[tilespmem:$0x1C800] =	vst v63  }
0x1c5: {  	s25 =	simm.s32 $0xF000;
	v3 =	vperm.xlane v3, v2  }
0x1c6: {  	[tilespmem:s25], [sflag:$0x2] =	stream.indirect_vreg.gather [hbm4b:s5+s3], $0x80, v4, vm0, $0xb8;
	[tilespmem:$0x1C800] =	vst v63  }
0x1c7: {  	v3 =	vadd.s32 v1, v3  }
0x1c8: {  	[tilespmem:s14], [sflag:$0x2] =	stream.indirect_vreg.gather [hbm4b:s6+s3], $0x80, v4, vm0, $0xb8;
	[tilespmem:$0x1C800] =	vst v63  }
0x1c9: {  	s26 =	simm.s32 $0x10000  }
0x1ca: {  	[tilespmem:s26], [sflag:$0x2] =	stream.indirect_vreg.gather [hbm4b:s7+s3], $0x80, v4, vm0, $0xb8;
	[tilespmem:$0x1C800] =	vst v63  }
0x1cb: {  	_ = 	snop  }
0x1cc: {  	[tilespmem:s4], [sflag:$0x2] =	stream.indirect_vreg.gather [hbm4b:s1+s3], $0x80, v3, vm0, $0xb8;
	[tilespmem:$0x1C800] =	vst v63  }
0x1cd: {  	s28 =	simm.s32 $0x11000  }
0x1ce: {  	[tilespmem:s28], [sflag:$0x2] =	stream.indirect_vreg.gather [hbm4b:s5+s3], $0x80, v3, vm0, $0xb8;
	[tilespmem:$0x1C800] =	vst v63  }
0x1cf: {  	s29 =	simm.s32 $0x11800  }
0x1d0: {  	[tilespmem:s29], [sflag:$0x2] =	stream.indirect_vreg.gather [hbm4b:s6+s3], $0x80, v3, vm0, $0xb8;
	[tilespmem:$0x1C800] =	vst v63  }
0x1d1: {  	s30 =	simm.s32 $0x12000  }
0x1d2: {  	[tilespmem:s30], [sflag:$0x2] =	stream.indirect_vreg.gather [hbm4b:s7+s3], $0x80, v3, vm0, $0xb8;
	[tilespmem:$0x1C800] =	vst v63  }
0x1d3: {  	v3 =	vld [tilespmem:$0x290];
	_ =	sdelay $0x4  }
0x1d4: {  	v48 =	vshll.u32 v3, $0x3  }
0x1d5: {  	v3 =	vand.u32 $0x7, v3;
	v4 =	vand.u32 $0xFFFFFFC0, v48  }
0x1d6: {  	v3 =	vor.u32 v3, v4  }
0x1d7: {  	v4 =	vperm.xlane v3, v0;
	_ =	sdelay $0x1  }
0x1d8: {  	v4 =	vadd.s32 v1, v4;
	_ =	sdelay $0x3  }
0x1d9: {  	s31 =	simm.s32 $0x12800  }
0x1da: {  	[tilespmem:s31], [sflag:$0x2] =	stream.indirect_vreg.gather [hbm4b:s1+s3], $0x80, v4, vm0, $0xb8;
	[tilespmem:$0x1C800] =	vst v63  }
0x1db: {  	s0 =	simm.s32 $0x13000;
	v3 =	vperm.xlane v3, v2  }
0x1dc: {  	[tilespmem:s0], [sflag:$0x2] =	stream.indirect_vreg.gather [hbm4b:s5+s3], $0x80, v4, vm0, $0xb8;
	[tilespmem:$0x1C800] =	vst v63  }
0x1dd: {  	s4 =	simm.s32 $0x13800;
	v3 =	vadd.s32 v1, v3  }
0x1de: {  	[tilespmem:s4], [sflag:$0x2] =	stream.indirect_vreg.gather [hbm4b:s6+s3], $0x80, v4, vm0, $0xb8;
	[tilespmem:$0x1C800] =	vst v63  }
0x1df: {  	s9 =	simm.s32 $0x14000  }
0x1e0: {  	[tilespmem:s9], [sflag:$0x2] =	stream.indirect_vreg.gather [hbm4b:s7+s3], $0x80, v4, vm0, $0xb8;
	[tilespmem:$0x1C800] =	vst v63  }
0x1e1: {  	s10 =	simm.s32 $0x14800  }
0x1e2: {  	[tilespmem:s10], [sflag:$0x2] =	stream.indirect_vreg.gather [hbm4b:s1+s3], $0x80, v3, vm0, $0xb8;
	[tilespmem:$0x1C800] =	vst v63  }
0x1e3: {  	s11 =	simm.s32 $0x15000  }
0x1e4: {  	[tilespmem:s11], [sflag:$0x2] =	stream.indirect_vreg.gather [hbm4b:s5+s3], $0x80, v3, vm0, $0xb8;
	[tilespmem:$0x1C800] =	vst v63  }
0x1e5: {  	s12 =	simm.s32 $0x15800  }
0x1e6: {  	[tilespmem:s12], [sflag:$0x2] =	stream.indirect_vreg.gather [hbm4b:s6+s3], $0x80, v3, vm0, $0xb8;
	[tilespmem:$0x1C800] =	vst v63  }
0x1e7: {  	s13 =	simm.s32 $0x16000  }
0x1e8: {  	[tilespmem:s13], [sflag:$0x2] =	stream.indirect_vreg.gather [hbm4b:s7+s3], $0x80, v3, vm0, $0xb8;
	[tilespmem:$0x1C800] =	vst v63  }
0x1e9: {  	v3 =	vld [tilespmem:$0x2A0];
	_ =	sdelay $0x4  }
0x1ea: {  	v49 =	vshll.u32 v3, $0x3  }
0x1eb: {  	v3 =	vand.u32 $0x7, v3;
	v4 =	vand.u32 $0xFFFFFFC0, v49  }
0x1ec: {  	v3 =	vor.u32 v3, v4  }
0x1ed: {  	v4 =	vperm.xlane v3, v0;
	_ =	sdelay $0x1  }
0x1ee: {  	v4 =	vadd.s32 v1, v4;
	_ =	sdelay $0x3  }
0x1ef: {  	s16 =	simm.s32 $0x16800  }
0x1f0: {  	[tilespmem:s16], [sflag:$0x2] =	stream.indirect_vreg.gather [hbm4b:s1+s3], $0x80, v4, vm0, $0xb8;
	[tilespmem:$0x1C800] =	vst v63  }
0x1f1: {  	s17 =	simm.s32 $0x17000;
	v3 =	vperm.xlane v3, v2  }
0x1f2: {  	[tilespmem:s17], [sflag:$0x2] =	stream.indirect_vreg.gather [hbm4b:s5+s3], $0x80, v4, vm0, $0xb8;
	[tilespmem:$0x1C800] =	vst v63  }
0x1f3: {  	s22 =	simm.s32 $0x17800;
	v3 =	vadd.s32 v1, v3  }
0x1f4: {  	[tilespmem:s22], [sflag:$0x2] =	stream.indirect_vreg.gather [hbm4b:s6+s3], $0x80, v4, vm0, $0xb8;
	[tilespmem:$0x1C800] =	vst v63  }
0x1f5: {  	s23 =	simm.s32 $0x18000  }
0x1f6: {  	[tilespmem:s23], [sflag:$0x2] =	stream.indirect_vreg.gather [hbm4b:s7+s3], $0x80, v4, vm0, $0xb8;
	[tilespmem:$0x1C800] =	vst v63  }
0x1f7: {  	s24 =	simm.s32 $0x18800  }
0x1f8: {  	[tilespmem:s24], [sflag:$0x2] =	stream.indirect_vreg.gather [hbm4b:s1+s3], $0x80, v3, vm0, $0xb8;
	[tilespmem:$0x1C800] =	vst v63  }
0x1f9: {  	s25 =	simm.s32 $0x19000  }
0x1fa: {  	[tilespmem:s25], [sflag:$0x2] =	stream.indirect_vreg.gather [hbm4b:s5+s3], $0x80, v3, vm0, $0xb8;
	[tilespmem:$0x1C800] =	vst v63  }
0x1fb: {  	s26 =	simm.s32 $0x19800  }
0x1fc: {  	[tilespmem:s26], [sflag:$0x2] =	stream.indirect_vreg.gather [hbm4b:s6+s3], $0x80, v3, vm0, $0xb8;
	[tilespmem:$0x1C800] =	vst v63  }
0x1fd: {  	s28 =	simm.s32 $0x1A000  }
0x1fe: {  	[tilespmem:s28], [sflag:$0x2] =	stream.indirect_vreg.gather [hbm4b:s7+s3], $0x80, v3, vm0, $0xb8;
	[tilespmem:$0x1C800] =	vst v63  }
0x1ff: {  	v3 =	vld.msk [tilespmem:$0x2B0], $0xff;
	_ =	sdelay $0x4  }
0x200: {  	v50 =	vshll.u32 v3, $0x3  }
0x201: {  	v3 =	vand.u32 $0x7, v3;
	v4 =	vand.u32 $0xFFFFFFC0, v50  }
0x202: {  	v3 =	vor.u32 v3, v4  }
0x203: {  	v3 =	vperm.xlane v3, v0;
	_ =	sdelay $0x1  }
0x204: {  	v3 =	vadd.s32 v1, v3;
	_ =	sdelay $0x3  }
0x205: {  	s0 =	simm.s32 $0x1A800  }
0x206: {  	[tilespmem:s0], [sflag:$0x2] =	stream.indirect_vreg.gather [hbm4b:s1+s3], $0x80, v3, vm0, $0xb8;
	[tilespmem:$0x1C800] =	vst v63  }
0x207: {  	s4 =	simm.s32 $0x1B000  }
0x208: {  	[tilespmem:s4], [sflag:$0x2] =	stream.indirect_vreg.gather [hbm4b:s5+s3], $0x80, v3, vm0, $0xb8;
	[tilespmem:$0x1C800] =	vst v63  }
0x209: {  	s9 =	simm.s32 $0x1B800  }
0x20a: {  	[tilespmem:s9], [sflag:$0x2] =	stream.indirect_vreg.gather [hbm4b:s6+s3], $0x80, v3, vm0, $0xb8;
	[tilespmem:$0x1C800] =	vst v63  }
0x20b: {  	s10 =	simm.s32 $0x1C000  }
0x20c: {  	[tilespmem:s10], [sflag:$0x2] =	stream.indirect_vreg.gather [hbm4b:s7+s3], $0x80, v3, vm0, $0xb8;
	[tilespmem:$0x1C800] =	vst v63  }
0x20d: {  	_ =	swait.ge [sflag:s18], $0xE000  }
0x20e: {  	[sflag:s18] =	ssyncset.done $0x0  }
0x20f: {  	s12 =	simm.s32 $0x800;
	s11 =	rddreg [dreg:$0x8];
	[sflag:s18] =	ssyncadd.s32 $0xFFFF2000  }
0x210: {  	[hbm4b:s11+s3] =	stream.linear.scatter [tilespmem:s12], [sflag:$0x3], $0xE000, $0x38;
	[tilespmem:$0x1C800] =	vst v63  }
0x211: {  	_ =	swait.ge [sflag:s19], $0xE000  }
0x212: {  	[sflag:s19] =	ssyncset.done $0x0  }
0x213: {  	[sflag:s19] =	ssyncadd.s32 $0xFFFF2000  }
0x214: {  	v3 =	vld [tilespmem:$0x300];
	_ =	sdelay $0x4  }
0x215: {  	v51 =	vshll.u32 v3, $0x3  }
0x216: {  	v3 =	vand.u32 $0x7, v3;
	v4 =	vand.u32 $0xFFFFFFC0, v51  }
0x217: {  	v3 =	vor.u32 v3, v4  }
0x218: {  	v4 =	vperm.xlane v3, v0;
	_ =	sdelay $0x1  }
0x219: {  	v4 =	vadd.s32 v1, v4;
	_ =	sdelay $0x4  }
0x21a: {  	[tilespmem:s12], [sflag:$0x1] =	stream.indirect_vreg.gather [hbm4b:s1+s3], $0x80, v4, vm0, $0xb8;
	[tilespmem:$0x1C800] =	vst v63  }
0x21b: {  	s13 =	simm.s32 $0x1000;
	v3 =	vperm.xlane v3, v2  }
0x21c: {  	[tilespmem:s13], [sflag:$0x1] =	stream.indirect_vreg.gather [hbm4b:s5+s3], $0x80, v4, vm0, $0xb8;
	[tilespmem:$0x1C800] =	vst v63  }
0x21d: {  	s17 =	simm.s32 $0x1800;
	v3 =	vadd.s32 v1, v3  }
0x21e: {  	[tilespmem:s17], [sflag:$0x1] =	stream.indirect_vreg.gather [hbm4b:s6+s3], $0x80, v4, vm0, $0xb8;
	[tilespmem:$0x1C800] =	vst v63  }
0x21f: {  	s4 =	simm.s32 $0x2000  }
0x220: {  	[tilespmem:s4], [sflag:$0x1] =	stream.indirect_vreg.gather [hbm4b:s7+s3], $0x80, v4, vm0, $0xb8;
	[tilespmem:$0x1C800] =	vst v63  }
0x221: {  	s9 =	simm.s32 $0x2800  }
0x222: {  	[tilespmem:s9], [sflag:$0x1] =	stream.indirect_vreg.gather [hbm4b:s1+s3], $0x80, v3, vm0, $0xb8;
	[tilespmem:$0x1C800] =	vst v63  }
0x223: {  	s10 =	simm.s32 $0x3000  }
0x224: {  	[tilespmem:s10], [sflag:$0x1] =	stream.indirect_vreg.gather [hbm4b:s5+s3], $0x80, v3, vm0, $0xb8;
	[tilespmem:$0x1C800] =	vst v63  }
0x225: {  	s11 =	simm.s32 $0x3800  }
0x226: {  	[tilespmem:s11], [sflag:$0x1] =	stream.indirect_vreg.gather [hbm4b:s6+s3], $0x80, v3, vm0, $0xb8;
	[tilespmem:$0x1C800] =	vst v63  }
0x227: {  	s15 =	simm.s32 $0x4000  }
0x228: {  	[tilespmem:s15], [sflag:$0x1] =	stream.indirect_vreg.gather [hbm4b:s7+s3], $0x80, v3, vm0, $0xb8;
	[tilespmem:$0x1C800] =	vst v63  }
0x229: {  	v3 =	vld [tilespmem:$0x310];
	_ =	sdelay $0x4  }
0x22a: {  	v52 =	vshll.u32 v3, $0x3  }
0x22b: {  	v3 =	vand.u32 $0x7, v3;
	v4 =	vand.u32 $0xFFFFFFC0, v52  }
0x22c: {  	v3 =	vor.u32 v3, v4  }
0x22d: {  	v4 =	vperm.xlane v3, v0;
	_ =	sdelay $0x1  }
0x22e: {  	v4 =	vadd.s32 v1, v4;
	_ =	sdelay $0x3  }
0x22f: {  	s16 =	simm.s32 $0x4800  }
0x230: {  	[tilespmem:s16], [sflag:$0x1] =	stream.indirect_vreg.gather [hbm4b:s1+s3], $0x80, v4, vm0, $0xb8;
	[tilespmem:$0x1C800] =	vst v63  }
0x231: {  	s22 =	simm.s32 $0x5000;
	v3 =	vperm.xlane v3, v2  }
0x232: {  	[tilespmem:s22], [sflag:$0x1] =	stream.indirect_vreg.gather [hbm4b:s5+s3], $0x80, v4, vm0, $0xb8;
	[tilespmem:$0x1C800] =	vst v63  }
0x233: {  	s12 =	simm.s32 $0x5800;
	v3 =	vadd.s32 v1, v3  }
0x234: {  	[tilespmem:s12], [sflag:$0x1] =	stream.indirect_vreg.gather [hbm4b:s6+s3], $0x80, v4, vm0, $0xb8;
	[tilespmem:$0x1C800] =	vst v63  }
0x235: {  	s13 =	simm.s32 $0x6000  }
0x236: {  	[tilespmem:s13], [sflag:$0x1] =	stream.indirect_vreg.gather [hbm4b:s7+s3], $0x80, v4, vm0, $0xb8;
	[tilespmem:$0x1C800] =	vst v63  }
0x237: {  	s15 =	simm.s32 $0x6800  }
0x238: {  	[tilespmem:s15], [sflag:$0x1] =	stream.indirect_vreg.gather [hbm4b:s1+s3], $0x80, v3, vm0, $0xb8;
	[tilespmem:$0x1C800] =	vst v63  }
0x239: {  	s16 =	simm.s32 $0x7000  }
0x23a: {  	[tilespmem:s16], [sflag:$0x1] =	stream.indirect_vreg.gather [hbm4b:s5+s3], $0x80, v3, vm0, $0xb8;
	[tilespmem:$0x1C800] =	vst v63  }
0x23b: {  	s23 =	simm.s32 $0x7800  }
0x23c: {  	[tilespmem:s23], [sflag:$0x1] =	stream.indirect_vreg.gather [hbm4b:s6+s3], $0x80, v3, vm0, $0xb8;
	[tilespmem:$0x1C800] =	vst v63  }
0x23d: {  	s24 =	simm.s32 $0x8000  }
0x23e: {  	[tilespmem:s24], [sflag:$0x1] =	stream.indirect_vreg.gather [hbm4b:s7+s3], $0x80, v3, vm0, $0xb8;
	[tilespmem:$0x1C800] =	vst v63  }
0x23f: {  	v3 =	vld [tilespmem:$0x320];
	_ =	sdelay $0x4  }
0x240: {  	v53 =	vshll.u32 v3, $0x3  }
0x241: {  	v3 =	vand.u32 $0x7, v3;
	v4 =	vand.u32 $0xFFFFFFC0, v53  }
0x242: {  	v3 =	vor.u32 v3, v4  }
0x243: {  	v4 =	vperm.xlane v3, v0;
	_ =	sdelay $0x1  }
0x244: {  	v4 =	vadd.s32 v1, v4;
	_ =	sdelay $0x3  }
0x245: {  	s22 =	simm.s32 $0x8800  }
0x246: {  	[tilespmem:s22], [sflag:$0x1] =	stream.indirect_vreg.gather [hbm4b:s1+s3], $0x80, v4, vm0, $0xb8;
	[tilespmem:$0x1C800] =	vst v63  }
0x247: {  	s23 =	simm.s32 $0x9000;
	v3 =	vperm.xlane v3, v2  }
0x248: {  	[tilespmem:s23], [sflag:$0x1] =	stream.indirect_vreg.gather [hbm4b:s5+s3], $0x80, v4, vm0, $0xb8;
	[tilespmem:$0x1C800] =	vst v63  }
0x249: {  	s24 =	simm.s32 $0x9800;
	v3 =	vadd.s32 v1, v3  }
0x24a: {  	[tilespmem:s24], [sflag:$0x1] =	stream.indirect_vreg.gather [hbm4b:s6+s3], $0x80, v4, vm0, $0xb8;
	[tilespmem:$0x1C800] =	vst v63  }
0x24b: {  	s22 =	simm.s32 $0xA000  }
0x24c: {  	[tilespmem:s22], [sflag:$0x1] =	stream.indirect_vreg.gather [hbm4b:s7+s3], $0x80, v4, vm0, $0xb8;
	[tilespmem:$0x1C800] =	vst v63  }
0x24d: {  	s23 =	simm.s32 $0xA800  }
0x24e: {  	[tilespmem:s23], [sflag:$0x1] =	stream.indirect_vreg.gather [hbm4b:s1+s3], $0x80, v3, vm0, $0xb8;
	[tilespmem:$0x1C800] =	vst v63  }
0x24f: {  	s24 =	simm.s32 $0xB000  }
0x250: {  	[tilespmem:s24], [sflag:$0x1] =	stream.indirect_vreg.gather [hbm4b:s5+s3], $0x80, v3, vm0, $0xb8;
	[tilespmem:$0x1C800] =	vst v63  }
0x251: {  	s22 =	simm.s32 $0xB800  }
0x252: {  	[tilespmem:s22], [sflag:$0x1] =	stream.indirect_vreg.gather [hbm4b:s6+s3], $0x80, v3, vm0, $0xb8;
	[tilespmem:$0x1C800] =	vst v63  }
0x253: {  	s23 =	simm.s32 $0xC000  }
0x254: {  	[tilespmem:s23], [sflag:$0x1] =	stream.indirect_vreg.gather [hbm4b:s7+s3], $0x80, v3, vm0, $0xb8;
	[tilespmem:$0x1C800] =	vst v63  }
0x255: {  	v3 =	vld.msk [tilespmem:$0x330], $0xff;
	_ =	sdelay $0x4  }
0x256: {  	v54 =	vshll.u32 v3, $0x3  }
0x257: {  	v3 =	vand.u32 $0x7, v3;
	v4 =	vand.u32 $0xFFFFFFC0, v54  }
0x258: {  	v3 =	vor.u32 v3, v4  }
0x259: {  	v3 =	vperm.xlane v3, v0;
	_ =	sdelay $0x1  }
0x25a: {  	v3 =	vadd.s32 v1, v3;
	_ =	sdelay $0x3  }
0x25b: {  	s24 =	simm.s32 $0xC800  }
0x25c: {  	[tilespmem:s24], [sflag:$0x1] =	stream.indirect_vreg.gather [hbm4b:s1+s3], $0x80, v3, vm0, $0xb8;
	[tilespmem:$0x1C800] =	vst v63  }
0x25d: {  	s22 =	simm.s32 $0xD000  }
0x25e: {  	[tilespmem:s22], [sflag:$0x1] =	stream.indirect_vreg.gather [hbm4b:s5+s3], $0x80, v3, vm0, $0xb8;
	[tilespmem:$0x1C800] =	vst v63  }
0x25f: {  	s23 =	simm.s32 $0xD800  }
0x260: {  	[tilespmem:s23], [sflag:$0x1] =	stream.indirect_vreg.gather [hbm4b:s6+s3], $0x80, v3, vm0, $0xb8;
	[tilespmem:$0x1C800] =	vst v63  }
0x261: {  	s24 =	simm.s32 $0xE000  }
0x262: {  	[tilespmem:s24], [sflag:$0x1] =	stream.indirect_vreg.gather [hbm4b:s7+s3], $0x80, v3, vm0, $0xb8;
	[tilespmem:$0x1C800] =	vst v63  }
0x263: {  	_ =	swait.ge [sflag:s20], $0xE000  }
0x264: {  	[sflag:s20] =	ssyncset.done $0x0  }
0x265: {  	s0 =	rddreg [dreg:$0x9];
	[sflag:s20] =	ssyncadd.s32 $0xFFFF2000  }
0x266: {  	[hbm4b:s0+s3] =	stream.linear.scatter [tilespmem:s2], [sflag:$0x4], $0xE000, $0x38;
	[tilespmem:$0x1C800] =	vst v63  }
0x267: {  	_ =	swait.ge [sflag:s21], $0xE000  }
0x268: {  	[sflag:s21] =	ssyncset.done $0x0  }
0x269: {  	[sflag:s21] =	ssyncadd.s32 $0xFFFF2000  }
0x26a: {  	v3 =	vld [tilespmem:$0x380];
	_ =	sdelay $0x4  }
0x26b: {  	v55 =	vshll.u32 v3, $0x3  }
0x26c: {  	v3 =	vand.u32 $0x7, v3;
	v4 =	vand.u32 $0xFFFFFFC0, v55  }
0x26d: {  	v3 =	vor.u32 v3, v4  }
0x26e: {  	v4 =	vperm.xlane v3, v0;
	_ =	sdelay $0x1  }
0x26f: {  	v4 =	vadd.s32 v1, v4;
	_ =	sdelay $0x4  }
0x270: {  	[tilespmem:s2], [sflag:$0x2] =	stream.indirect_vreg.gather [hbm4b:s1+s3], $0x80, v4, vm0, $0xb8;
	[tilespmem:$0x1C800] =	vst v63  }
0x271: {  	s22 =	simm.s32 $0xF000;
	v3 =	vperm.xlane v3, v2  }
0x272: {  	[tilespmem:s22], [sflag:$0x2] =	stream.indirect_vreg.gather [hbm4b:s5+s3], $0x80, v4, vm0, $0xb8;
	[tilespmem:$0x1C800] =	vst v63  }
0x273: {  	s23 =	simm.s32 $0xF800;
	v3 =	vadd.s32 v1, v3  }
0x274: {  	[tilespmem:s23], [sflag:$0x2] =	stream.indirect_vreg.gather [hbm4b:s6+s3], $0x80, v4, vm0, $0xb8;
	[tilespmem:$0x1C800] =	vst v63  }
0x275: {  	s0 =	simm.s32 $0x10000  }
0x276: {  	[tilespmem:s0], [sflag:$0x2] =	stream.indirect_vreg.gather [hbm4b:s7+s3], $0x80, v4, vm0, $0xb8;
	[tilespmem:$0x1C800] =	vst v63  }
0x277: {  	s22 =	simm.s32 $0x10800  }
0x278: {  	[tilespmem:s22], [sflag:$0x2] =	stream.indirect_vreg.gather [hbm4b:s1+s3], $0x80, v3, vm0, $0xb8;
	[tilespmem:$0x1C800] =	vst v63  }
0x279: {  	s14 =	simm.s32 $0x11000  }
0x27a: {  	[tilespmem:s14], [sflag:$0x2] =	stream.indirect_vreg.gather [hbm4b:s5+s3], $0x80, v3, vm0, $0xb8;
	[tilespmem:$0x1C800] =	vst v63  }
0x27b: {  	s22 =	simm.s32 $0x11800  }
0x27c: {  	[tilespmem:s22], [sflag:$0x2] =	stream.indirect_vreg.gather [hbm4b:s6+s3], $0x80, v3, vm0, $0xb8;
	[tilespmem:$0x1C800] =	vst v63  }
0x27d: {  	s29 =	simm.s32 $0x12000  }
0x27e: {  	[tilespmem:s29], [sflag:$0x2] =	stream.indirect_vreg.gather [hbm4b:s7+s3], $0x80, v3, vm0, $0xb8;
	[tilespmem:$0x1C800] =	vst v63  }
0x27f: {  	v3 =	vld [tilespmem:$0x390];
	_ =	sdelay $0x4  }
0x280: {  	v56 =	vshll.u32 v3, $0x3  }
0x281: {  	v3 =	vand.u32 $0x7, v3;
	v4 =	vand.u32 $0xFFFFFFC0, v56  }
0x282: {  	v3 =	vor.u32 v3, v4  }
0x283: {  	v4 =	vperm.xlane v3, v0;
	_ =	sdelay $0x1  }
0x284: {  	v4 =	vadd.s32 v1, v4;
	_ =	sdelay $0x3  }
0x285: {  	s30 =	simm.s32 $0x12800  }
0x286: {  	[tilespmem:s30], [sflag:$0x2] =	stream.indirect_vreg.gather [hbm4b:s1+s3], $0x80, v4, vm0, $0xb8;
	[tilespmem:$0x1C800] =	vst v63  }
0x287: {  	s31 =	simm.s32 $0x13000;
	v3 =	vperm.xlane v3, v2  }
0x288: {  	[tilespmem:s31], [sflag:$0x2] =	stream.indirect_vreg.gather [hbm4b:s5+s3], $0x80, v4, vm0, $0xb8;
	[tilespmem:$0x1C800] =	vst v63  }
0x289: {  	v3 =	vadd.s32 v1, v3;
	s31 =	simm.s32 $0x13800  }
0x28a: {  	[tilespmem:s31], [sflag:$0x2] =	stream.indirect_vreg.gather [hbm4b:s6+s3], $0x80, v4, vm0, $0xb8;
	[tilespmem:$0x1C800] =	vst v63  }
0x28b: {  	s22 =	simm.s32 $0x14000  }
0x28c: {  	[tilespmem:s22], [sflag:$0x2] =	stream.indirect_vreg.gather [hbm4b:s7+s3], $0x80, v4, vm0, $0xb8;
	[tilespmem:$0x1C800] =	vst v63  }
0x28d: {  	s29 =	simm.s32 $0x14800  }
0x28e: {  	[tilespmem:s29], [sflag:$0x2] =	stream.indirect_vreg.gather [hbm4b:s1+s3], $0x80, v3, vm0, $0xb8;
	[tilespmem:$0x1C800] =	vst v63  }
0x28f: {  	s30 =	simm.s32 $0x15000  }
0x290: {  	[tilespmem:s30], [sflag:$0x2] =	stream.indirect_vreg.gather [hbm4b:s5+s3], $0x80, v3, vm0, $0xb8;
	[tilespmem:$0x1C800] =	vst v63  }
0x291: {  	s31 =	simm.s32 $0x15800  }
0x292: {  	[tilespmem:s31], [sflag:$0x2] =	stream.indirect_vreg.gather [hbm4b:s6+s3], $0x80, v3, vm0, $0xb8;
	[tilespmem:$0x1C800] =	vst v63  }
0x293: {  	s22 =	simm.s32 $0x16000  }
0x294: {  	[tilespmem:s22], [sflag:$0x2] =	stream.indirect_vreg.gather [hbm4b:s7+s3], $0x80, v3, vm0, $0xb8;
	[tilespmem:$0x1C800] =	vst v63  }
0x295: {  	v3 =	vld [tilespmem:$0x3A0];
	_ =	sdelay $0x4  }
0x296: {  	v57 =	vshll.u32 v3, $0x3  }
0x297: {  	v3 =	vand.u32 $0x7, v3;
	v4 =	vand.u32 $0xFFFFFFC0, v57  }
0x298: {  	v3 =	vor.u32 v3, v4  }
0x299: {  	v4 =	vperm.xlane v3, v0;
	_ =	sdelay $0x1  }
0x29a: {  	v4 =	vadd.s32 v1, v4;
	_ =	sdelay $0x3  }
0x29b: {  	s29 =	simm.s32 $0x16800  }
0x29c: {  	[tilespmem:s29], [sflag:$0x2] =	stream.indirect_vreg.gather [hbm4b:s1+s3], $0x80, v4, vm0, $0xb8;
	[tilespmem:$0x1C800] =	vst v63  }
0x29d: {  	s30 =	simm.s32 $0x17000;
	v3 =	vperm.xlane v3, v2  }
0x29e: {  	[tilespmem:s30], [sflag:$0x2] =	stream.indirect_vreg.gather [hbm4b:s5+s3], $0x80, v4, vm0, $0xb8;
	[tilespmem:$0x1C800] =	vst v63  }
0x29f: {  	s31 =	simm.s32 $0x17800;
	v3 =	vadd.s32 v1, v3  }
0x2a0: {  	[tilespmem:s31], [sflag:$0x2] =	stream.indirect_vreg.gather [hbm4b:s6+s3], $0x80, v4, vm0, $0xb8;
	[tilespmem:$0x1C800] =	vst v63  }
0x2a1: {  	s22 =	simm.s32 $0x18000  }
0x2a2: {  	[tilespmem:s22], [sflag:$0x2] =	stream.indirect_vreg.gather [hbm4b:s7+s3], $0x80, v4, vm0, $0xb8;
	[tilespmem:$0x1C800] =	vst v63  }
0x2a3: {  	s29 =	simm.s32 $0x18800  }
0x2a4: {  	[tilespmem:s29], [sflag:$0x2] =	stream.indirect_vreg.gather [hbm4b:s1+s3], $0x80, v3, vm0, $0xb8;
	[tilespmem:$0x1C800] =	vst v63  }
0x2a5: {  	s30 =	simm.s32 $0x19000  }
0x2a6: {  	[tilespmem:s30], [sflag:$0x2] =	stream.indirect_vreg.gather [hbm4b:s5+s3], $0x80, v3, vm0, $0xb8;
	[tilespmem:$0x1C800] =	vst v63  }
0x2a7: {  	s31 =	simm.s32 $0x19800  }
0x2a8: {  	[tilespmem:s31], [sflag:$0x2] =	stream.indirect_vreg.gather [hbm4b:s6+s3], $0x80, v3, vm0, $0xb8;
	[tilespmem:$0x1C800] =	vst v63  }
0x2a9: {  	s22 =	simm.s32 $0x1A000  }
0x2aa: {  	[tilespmem:s22], [sflag:$0x2] =	stream.indirect_vreg.gather [hbm4b:s7+s3], $0x80, v3, vm0, $0xb8;
	[tilespmem:$0x1C800] =	vst v63  }
0x2ab: {  	v3 =	vld.msk [tilespmem:$0x3B0], $0xff;
	_ =	sdelay $0x4  }
0x2ac: {  	v58 =	vshll.u32 v3, $0x3  }
0x2ad: {  	v3 =	vand.u32 $0x7, v3;
	v4 =	vand.u32 $0xFFFFFFC0, v58  }
0x2ae: {  	v3 =	vor.u32 v3, v4  }
0x2af: {  	v3 =	vperm.xlane v3, v0;
	_ =	sdelay $0x1  }
0x2b0: {  	v3 =	vadd.s32 v1, v3;
	_ =	sdelay $0x3  }
0x2b1: {  	s25 =	simm.s32 $0x1A800  }
0x2b2: {  	[tilespmem:s25], [sflag:$0x2] =	stream.indirect_vreg.gather [hbm4b:s1+s3], $0x80, v3, vm0, $0xb8;
	[tilespmem:$0x1C800] =	vst v63  }
0x2b3: {  	s26 =	simm.s32 $0x1B000  }
0x2b4: {  	[tilespmem:s26], [sflag:$0x2] =	stream.indirect_vreg.gather [hbm4b:s5+s3], $0x80, v3, vm0, $0xb8;
	[tilespmem:$0x1C800] =	vst v63  }
0x2b5: {  	s28 =	simm.s32 $0x1B800  }
0x2b6: {  	[tilespmem:s28], [sflag:$0x2] =	stream.indirect_vreg.gather [hbm4b:s6+s3], $0x80, v3, vm0, $0xb8;
	[tilespmem:$0x1C800] =	vst v63  }
0x2b7: {  	s29 =	simm.s32 $0x1C000  }
0x2b8: {  	[tilespmem:s29], [sflag:$0x2] =	stream.indirect_vreg.gather [hbm4b:s7+s3], $0x80, v3, vm0, $0xb8;
	[tilespmem:$0x1C800] =	vst v63  }
0x2b9: {  	_ =	swait.ge [sflag:s18], $0xE000  }
0x2ba: {  	[sflag:s18] =	ssyncset.done $0x0  }
0x2bb: {  	s31 =	simm.s32 $0x800;
	s30 =	rddreg [dreg:$0xa];
	[sflag:s18] =	ssyncadd.s32 $0xFFFF2000  }
0x2bc: {  	[hbm4b:s30+s3] =	stream.linear.scatter [tilespmem:s31], [sflag:$0x3], $0xE000, $0x38;
	[tilespmem:$0x1C800] =	vst v63  }
0x2bd: {  	_ =	swait.ge [sflag:s19], $0xE000  }
0x2be: {  	[sflag:s19] =	ssyncset.done $0x0  }
0x2bf: {  	[sflag:s19] =	ssyncadd.s32 $0xFFFF2000  }
0x2c0: {  	v3 =	vld [tilespmem:$0x400];
	_ =	sdelay $0x4  }
0x2c1: {  	v59 =	vshll.u32 v3, $0x3  }
0x2c2: {  	v3 =	vand.u32 $0x7, v3;
	v4 =	vand.u32 $0xFFFFFFC0, v59  }
0x2c3: {  	v3 =	vor.u32 v3, v4  }
0x2c4: {  	v4 =	vperm.xlane v3, v0;
	_ =	sdelay $0x1  }
0x2c5: {  	v4 =	vadd.s32 v1, v4;
	_ =	sdelay $0x4  }
0x2c6: {  	[tilespmem:s31], [sflag:$0x1] =	stream.indirect_vreg.gather [hbm4b:s1+s3], $0x80, v4, vm0, $0xb8;
	[tilespmem:$0x1C800] =	vst v63  }
0x2c7: {  	s25 =	simm.s32 $0x1000;
	v3 =	vperm.xlane v3, v2  }
0x2c8: {  	[tilespmem:s25], [sflag:$0x1] =	stream.indirect_vreg.gather [hbm4b:s5+s3], $0x80, v4, vm0, $0xb8;
	[tilespmem:$0x1C800] =	vst v63  }
0x2c9: {  	v3 =	vadd.s32 v1, v3  }
0x2ca: {  	[tilespmem:s17], [sflag:$0x1] =	stream.indirect_vreg.gather [hbm4b:s6+s3], $0x80, v4, vm0, $0xb8;
	[tilespmem:$0x1C800] =	vst v63  }
0x2cb: {  	_ = 	snop  }
0x2cc: {  	[tilespmem:s4], [sflag:$0x1] =	stream.indirect_vreg.gather [hbm4b:s7+s3], $0x80, v4, vm0, $0xb8;
	[tilespmem:$0x1C800] =	vst v63  }
0x2cd: {  	_ = 	snop  }
0x2ce: {  	[tilespmem:s9], [sflag:$0x1] =	stream.indirect_vreg.gather [hbm4b:s1+s3], $0x80, v3, vm0, $0xb8;
	[tilespmem:$0x1C800] =	vst v63  }
0x2cf: {  	_ = 	snop  }
0x2d0: {  	[tilespmem:s10], [sflag:$0x1] =	stream.indirect_vreg.gather [hbm4b:s5+s3], $0x80, v3, vm0, $0xb8;
	[tilespmem:$0x1C800] =	vst v63  }
0x2d1: {  	_ = 	snop  }
0x2d2: {  	[tilespmem:s11], [sflag:$0x1] =	stream.indirect_vreg.gather [hbm4b:s6+s3], $0x80, v3, vm0, $0xb8;
	[tilespmem:$0x1C800] =	vst v63  }
0x2d3: {  	s26 =	simm.s32 $0x4000  }
0x2d4: {  	[tilespmem:s26], [sflag:$0x1] =	stream.indirect_vreg.gather [hbm4b:s7+s3], $0x80, v3, vm0, $0xb8;
	[tilespmem:$0x1C800] =	vst v63  }
0x2d5: {  	v3 =	vld [tilespmem:$0x410];
	_ =	sdelay $0x4  }
0x2d6: {  	v60 =	vshll.u32 v3, $0x3  }
0x2d7: {  	v3 =	vand.u32 $0x7, v3;
	v4 =	vand.u32 $0xFFFFFFC0, v60  }
0x2d8: {  	v3 =	vor.u32 v3, v4  }
0x2d9: {  	v4 =	vperm.xlane v3, v0;
	_ =	sdelay $0x1  }
0x2da: {  	v4 =	vadd.s32 v1, v4;
	_ =	sdelay $0x3  }
0x2db: {  	s28 =	simm.s32 $0x4800  }
0x2dc: {  	[tilespmem:s28], [sflag:$0x1] =	stream.indirect_vreg.gather [hbm4b:s1+s3], $0x80, v4, vm0, $0xb8;
	[tilespmem:$0x1C800] =	vst v63  }
0x2dd: {  	s29 =	simm.s32 $0x5000;
	v3 =	vperm.xlane v3, v2  }
0x2de: {  	[tilespmem:s29], [sflag:$0x1] =	stream.indirect_vreg.gather [hbm4b:s5+s3], $0x80, v4, vm0, $0xb8;
	[tilespmem:$0x1C800] =	vst v63  }
0x2df: {  	v3 =	vadd.s32 v1, v3  }
0x2e0: {  	[tilespmem:s12], [sflag:$0x1] =	stream.indirect_vreg.gather [hbm4b:s6+s3], $0x80, v4, vm0, $0xb8;
	[tilespmem:$0x1C800] =	vst v63  }
0x2e1: {  	_ = 	snop  }
0x2e2: {  	[tilespmem:s13], [sflag:$0x1] =	stream.indirect_vreg.gather [hbm4b:s7+s3], $0x80, v4, vm0, $0xb8;
	[tilespmem:$0x1C800] =	vst v63  }
0x2e3: {  	_ = 	snop  }
0x2e4: {  	[tilespmem:s15], [sflag:$0x1] =	stream.indirect_vreg.gather [hbm4b:s1+s3], $0x80, v3, vm0, $0xb8;
	[tilespmem:$0x1C800] =	vst v63  }
0x2e5: {  	_ = 	snop  }
0x2e6: {  	[tilespmem:s16], [sflag:$0x1] =	stream.indirect_vreg.gather [hbm4b:s5+s3], $0x80, v3, vm0, $0xb8;
	[tilespmem:$0x1C800] =	vst v63  }
0x2e7: {  	s30 =	simm.s32 $0x7800  }
0x2e8: {  	[tilespmem:s30], [sflag:$0x1] =	stream.indirect_vreg.gather [hbm4b:s6+s3], $0x80, v3, vm0, $0xb8;
	[tilespmem:$0x1C800] =	vst v63  }
0x2e9: {  	s31 =	simm.s32 $0x8000  }
0x2ea: {  	[tilespmem:s31], [sflag:$0x1] =	stream.indirect_vreg.gather [hbm4b:s7+s3], $0x80, v3, vm0, $0xb8;
	[tilespmem:$0x1C800] =	vst v63  }
0x2eb: {  	v3 =	vld [tilespmem:$0x420];
	_ =	sdelay $0x4  }
0x2ec: {  	v61 =	vshll.u32 v3, $0x3  }
0x2ed: {  	v3 =	vand.u32 $0x7, v3;
	v4 =	vand.u32 $0xFFFFFFC0, v61  }
0x2ee: {  	v3 =	vor.u32 v3, v4  }
0x2ef: {  	v4 =	vperm.xlane v3, v0;
	_ =	sdelay $0x1  }
0x2f0: {  	v4 =	vadd.s32 v1, v4;
	_ =	sdelay $0x3  }
0x2f1: {  	s9 =	simm.s32 $0x8800  }
0x2f2: {  	[tilespmem:s9], [sflag:$0x1] =	stream.indirect_vreg.gather [hbm4b:s1+s3], $0x80, v4, vm0, $0xb8;
	[tilespmem:$0x1C800] =	vst v63  }
0x2f3: {  	s10 =	simm.s32 $0x9000;
	v3 =	vperm.xlane v3, v2  }
0x2f4: {  	[tilespmem:s10], [sflag:$0x1] =	stream.indirect_vreg.gather [hbm4b:s5+s3], $0x80, v4, vm0, $0xb8;
	[tilespmem:$0x1C800] =	vst v63  }
0x2f5: {  	s11 =	simm.s32 $0x9800;
	v3 =	vadd.s32 v1, v3  }
0x2f6: {  	[tilespmem:s11], [sflag:$0x1] =	stream.indirect_vreg.gather [hbm4b:s6+s3], $0x80, v4, vm0, $0xb8;
	[tilespmem:$0x1C800] =	vst v63  }
0x2f7: {  	s12 =	simm.s32 $0xA000  }
0x2f8: {  	[tilespmem:s12], [sflag:$0x1] =	stream.indirect_vreg.gather [hbm4b:s7+s3], $0x80, v4, vm0, $0xb8;
	[tilespmem:$0x1C800] =	vst v63  }
0x2f9: {  	s13 =	simm.s32 $0xA800  }
0x2fa: {  	[tilespmem:s13], [sflag:$0x1] =	stream.indirect_vreg.gather [hbm4b:s1+s3], $0x80, v3, vm0, $0xb8;
	[tilespmem:$0x1C800] =	vst v63  }
0x2fb: {  	s15 =	simm.s32 $0xB000  }
0x2fc: {  	[tilespmem:s15], [sflag:$0x1] =	stream.indirect_vreg.gather [hbm4b:s5+s3], $0x80, v3, vm0, $0xb8;
	[tilespmem:$0x1C800] =	vst v63  }
0x2fd: {  	s16 =	simm.s32 $0xB800  }
0x2fe: {  	[tilespmem:s16], [sflag:$0x1] =	stream.indirect_vreg.gather [hbm4b:s6+s3], $0x80, v3, vm0, $0xb8;
	[tilespmem:$0x1C800] =	vst v63  }
0x2ff: {  	s17 =	simm.s32 $0xC000  }
0x300: {  	[tilespmem:s17], [sflag:$0x1] =	stream.indirect_vreg.gather [hbm4b:s7+s3], $0x80, v3, vm0, $0xb8;
	[tilespmem:$0x1C800] =	vst v63  }
0x301: {  	v3 =	vld.msk [tilespmem:$0x430], $0xff;
	_ =	sdelay $0x4  }
0x302: {  	v62 =	vshll.u32 v3, $0x3  }
0x303: {  	v3 =	vand.u32 $0x7, v3;
	v4 =	vand.u32 $0xFFFFFFC0, v62  }
0x304: {  	v3 =	vor.u32 v3, v4  }
0x305: {  	v3 =	vperm.xlane v3, v0;
	_ =	sdelay $0x1  }
0x306: {  	v3 =	vadd.s32 v1, v3;
	_ =	sdelay $0x3  }
0x307: {  	s22 =	simm.s32 $0xC800  }
0x308: {  	[tilespmem:s22], [sflag:$0x1] =	stream.indirect_vreg.gather [hbm4b:s1+s3], $0x80, v3, vm0, $0xb8;
	[tilespmem:$0x1C800] =	vst v63  }
0x309: {  	s25 =	simm.s32 $0xD000  }
0x30a: {  	[tilespmem:s25], [sflag:$0x1] =	stream.indirect_vreg.gather [hbm4b:s5+s3], $0x80, v3, vm0, $0xb8;
	[tilespmem:$0x1C800] =	vst v63  }
0x30b: {  	s26 =	simm.s32 $0xD800  }
0x30c: {  	[tilespmem:s26], [sflag:$0x1] =	stream.indirect_vreg.gather [hbm4b:s6+s3], $0x80, v3, vm0, $0xb8;
	[tilespmem:$0x1C800] =	vst v63  }
0x30d: {  	s28 =	simm.s32 $0xE000  }
0x30e: {  	[tilespmem:s28], [sflag:$0x1] =	stream.indirect_vreg.gather [hbm4b:s7+s3], $0x80, v3, vm0, $0xb8;
	[tilespmem:$0x1C800] =	vst v63  }
0x30f: {  	_ =	swait.ge [sflag:s20], $0xE000  }
0x310: {  	[sflag:s20] =	ssyncset.done $0x0  }
0x311: {  	s29 =	rddreg [dreg:$0xb];
	[sflag:s20] =	ssyncadd.s32 $0xFFFF2000  }
0x312: {  	[hbm4b:s29+s3] =	stream.linear.scatter [tilespmem:s2], [sflag:$0x4], $0xE000, $0x38;
	[tilespmem:$0x1C800] =	vst v63  }
0x313: {  	_ =	swait.ge [sflag:s21], $0xE000  }
0x314: {  	[sflag:s21] =	ssyncset.done $0x0  }
0x315: {  	[sflag:s21] =	ssyncadd.s32 $0xFFFF2000  }
0x316: {  	v3 =	vld.msk [tilespmem:$0x480], $0xff;
	_ =	sdelay $0x4  }
0x317: {  	v63 =	vshll.u32 v3, $0x3  }
0x318: {  	v3 =	vand.u32 $0x7, v3;
	v4 =	vand.u32 $0xFFFFFFC0, v63  }
0x319: {  	v3 =	vor.u32 v3, v4  }
0x31a: {  	v3 =	vperm.xlane v3, v0;
	_ =	sdelay $0x1  }
0x31b: {  	v3 =	vadd.s32 v1, v3;
	_ =	sdelay $0x4  }
0x31c: {  	[tilespmem:s2], [sflag:$0x2] =	stream.indirect_vreg.gather [hbm4b:s1+s3], $0x80, v3, vm0, $0xb8;
	[tilespmem:$0x1C800] =	vst v63  }
0x31d: {  	s24 =	simm.s32 $0xF000  }
0x31e: {  	[tilespmem:s24], [sflag:$0x2] =	stream.indirect_vreg.gather [hbm4b:s5+s3], $0x80, v3, vm0, $0xb8;
	[tilespmem:$0x1C800] =	vst v63  }
0x31f: {  	s23 =	simm.s32 $0xF800  }
0x320: {  	[tilespmem:s23], [sflag:$0x2] =	stream.indirect_vreg.gather [hbm4b:s6+s3], $0x80, v3, vm0, $0xb8;
	[tilespmem:$0x1C800] =	vst v63  }
0x321: {  	_ = 	snop  }
0x322: {  	[tilespmem:s0], [sflag:$0x2] =	stream.indirect_vreg.gather [hbm4b:s7+s3], $0x80, v3, vm0, $0xb8;
	[tilespmem:$0x1C800] =	vst v63  }
0x323: {  	_ =	swait.ge [sflag:s18], $0xE000  }
0x324: {  	[sflag:s18] =	ssyncset.done $0x0  }
0x325: {  	s14 =	simm.s32 $0x800;
	s30 =	rddreg [dreg:$0xc];
	[sflag:s18] =	ssyncadd.s32 $0xFFFF2000  }
0x326: {  	[hbm4b:s30+s3] =	stream.linear.scatter [tilespmem:s14], [sflag:$0x3], $0xE000, $0x38;
	[tilespmem:$0x1C800] =	vst v63  }
0x327: {  	_ =	swait.ge [sflag:s19], $0xE000  }
0x328: {  	[sflag:s19] =	ssyncset.done $0x0  }
0x329: {  	[sflag:s19] =	ssyncadd.s32 $0xFFFF2000  }
0x32a: {  	_ =	swait.ge [sflag:s20], $0x2000  }
0x32b: {  	p0 =	sne.s32 s8, $0x1;
	[sflag:s20] =	ssyncset.done $0x0  }
.Ltmp0:
0x32c: {  	s31 =	rddreg [dreg:$0xd];
	[sflag:s20] =	ssyncadd.s32 $0xFFFFE000;
	(pc) =	sbr.rel @p0 .LBB2_1-.Ltmp0, $4  }
0x32d: {  	[hbm4b:s31+s3] =	stream.linear.scatter [tilespmem:s2], [sflag:$0x4], $0x2000, $0x38;
	[tilespmem:$0x1C800] =	vst v63  }
0x32e: {  	_ =	swait.ge [sflag:s21], $0x2000  }
0x32f: {  	[sflag:s21] =	ssyncset.done $0x0  }
0x330: {  	s8 =	sadd.s32 $0xFFFFFFFF, s8;
	[sflag:s21] =	ssyncadd.s32 $0xFFFFE000  }
0x331: {  	_ =	sfence.sel $0x180000  }
0x332: {  	[bflag:$0x0] =	sbarrier.arrive $0xFFFF  }
0x333: {  	_ =	strace $0x90000047  }
0x334: {  	s0 =	stileid.u32;
	[bflag:$0x2] =	sbarrier.arrive $0xFFFF  }
0x335: {  	p0 =	sne.s32 s0, $0x0;
	s0 =	rddreg [dreg:$0x3]  }
0x336: {  	s0 =	sadd.s32 @!p0 $0x100000, s0  }
0x337: {  	[sflag:s0] =	ssyncadd.tile.s32 @!p0 $0x1;
	_ =	shalt  }
.Lfunc_end2:
_tile_overlayer_lowered:
.L_overlay_start_2:
0x338: {  	(tag) =	ssettag $0x2  }
0x339: {  	s0 =	rddreg [dreg:$0x0];
	s2 =	stileid.u32  }
0x33a: {  	s1 =	rddreg [dreg:$0x1];
	p0 =	sne.s32 s2, $0x0  }
0x33b: {  	s3 =	rddreg [dreg:$0x2];
	[bflag:$0x3] =	sbarrier.arrive $0xFFFF;
	s2 =	simm.s32 @!p0 $0x1C05  }
0x33c: {  	[timem:s3], [sflag:s2] =	dma.local @!p0 [hbm:s0], s1  }
0x33d: {  	s0 =	simm.s32 @!p0 $0x5  }
0x33e: {  	_ =	swait.ge @!p0 [sflag:s0], s1  }
0x33f: {  	s1 =	ssub.s32 @!p0 $0x0, s1;
	[sflag:s0] =	ssyncset.done @!p0 $0x0  }
0x340: {  	[sflag:s0] =	ssyncadd.s32 @!p0 s1  }
0x341: {  	[bflag:$0x3] =	sbarrier.arrive $0xFFFF  }
0x342: {  	_ =	shalt  }

</sc_bundles>
